<compile_context>
chip_gen: v7x
topology: tpu7x:2x2x1
jax: 0.10.2.dev20260603
libtpu: 0.0.44.dev20260713+nightly
codegen_flags: <defaults>
</compile_context>

<pallas_src>
import jax
import jax.numpy as jnp
from jax import lax
from jax.experimental import pallas as pl
from jax.experimental.pallas import tpu as pltpu
import jax.experimental.pallas.tpu_sc as plsc

B = 4
NV = 50000
NO = 2000
E1 = 100000
E2 = 2000
H = 512
NA = 8

EPB = E1 + NO
ET = B * EPB
EP = 409600
NC = 2
NS = 16
NW = NC * NS
CPW = EP // NW
CH = 128
NCH = CPW // CH
R1 = B * NO
ACC = 2 * B * NO
RPT = ACC // NS
E2P = 8192
C2PW = E2P // NW
NCH2 = C2PW // CH
BLK = 512
NBLK = EP // BLK
NEG = -1e30


def _sc_gather(tblv, tblo, gsrc, gdsto, zs_out, zd_out, idx_v, rows_v, sem):
    c = lax.axis_index("c")
    s = lax.axis_index("s")
    wid = s * NC + c

    def body(k, carry):
        base = wid * CPW + k * CH
        pltpu.sync_copy(gsrc.at[pl.ds(base, CH)], idx_v)
        pltpu.async_copy(tblv.at[idx_v], rows_v, sem).wait()
        pltpu.sync_copy(rows_v, zs_out.at[pl.ds(base, CH)])
        pltpu.sync_copy(gdsto.at[pl.ds(base, CH)], idx_v)
        pltpu.async_copy(tblo.at[idx_v], rows_v, sem).wait()
        pltpu.sync_copy(rows_v, zd_out.at[pl.ds(base, CH)])
        return carry

    lax.fori_loop(0, NCH, body, 0)


def _sc_scatter(V, gdst, V2, gdst2, zrows, out, idx_v, v_v, acc, sem):
    c = lax.axis_index("c")
    s = lax.axis_index("s")
    wid = s * NC + c
    pltpu.sync_copy(zrows.at[pl.ds(s * RPT, RPT)], acc.at[pl.ds(s * RPT, RPT)])
    plsc.subcore_barrier()

    def body(k, carry):
        base = wid * CPW + k * CH
        pltpu.sync_copy(gdst.at[pl.ds(base, CH)], idx_v)
        pltpu.sync_copy(V.at[pl.ds(base, CH)], v_v)
        pltpu.sync_copy(v_v, acc.at[idx_v], add=True)
        return carry

    lax.fori_loop(0, NCH, body, 0)

    def body2(k, carry):
        base = wid * C2PW + k * CH
        pltpu.sync_copy(gdst2.at[pl.ds(base, CH)], idx_v)
        pltpu.sync_copy(V2.at[pl.ds(base, CH)], v_v)
        pltpu.sync_copy(v_v, acc.at[idx_v], add=True)
        return carry

    lax.fori_loop(0, NCH2, body2, 0)
    plsc.subcore_barrier()
    pltpu.sync_copy(acc.at[pl.ds(s * RPT, RPT)], out.at[pl.ds(c * ACC + s * RPT, RPT)])


def _tc_logits(zs_ref, zd_ref, eb_ref, wl_ref, wr_ref, b6_ref, att_ref, e_ref, m_ref):
    i = pl.program_id(0)
    P = jnp.dot(zs_ref[...], wl_ref[...], preferred_element_type=jnp.float32)
    P = P + jnp.dot(zd_ref[...], wr_ref[...], preferred_element_type=jnp.float32)
    P = P + b6_ref[...]
    L = jnp.where(P > 0, P, 0.2 * P)
    e = jnp.dot(L, att_ref[...], preferred_element_type=jnp.float32) + eb_ref[...]
    e_ref[...] = e

    @pl.when(i == 0)
    def _():
        m_ref[...] = jnp.full((1, 1), NEG, jnp.float32)

    m_ref[...] = jnp.maximum(m_ref[...], jnp.full((1, 1), jnp.max(e), jnp.float32))


def _tc_weights(e_ref, m_ref, zs_ref, v_ref):
    ex = jnp.exp(e_ref[...] - m_ref[...])
    z4 = zs_ref[...][:, 0:4]
    v_ref[...] = jnp.concatenate(
        [z4 * ex, ex, jnp.zeros((BLK, 11), jnp.float32)], axis=1)


def _tc_final(pA0, pA1, pC0, pC1, wl4, b1_ref, wl2, bl2, att2, hn, wr2, br2,
              ohb, vfw, vfb, out_ref):
    accA = pA0[...] + pA1[...]
    s4 = accA[:, 0:4]
    den = accA[:, 4:5]
    h_obj = jnp.maximum(
        jnp.dot(s4 / den, wl4[...], preferred_element_type=jnp.float32) + b1_ref[...], 0.0)
    cnt = pC0[...][:, 4:5] + pC1[...][:, 4:5]
    hl2 = jnp.dot(h_obj, wl2[...], preferred_element_type=jnp.float32) + bl2[...]
    hr2 = jnp.dot(hn[...].reshape(1, 16), wr2[...],
                  preferred_element_type=jnp.float32) + br2[...]
    pre = hl2 + hr2
    L = jnp.where(pre > 0, pre, 0.2 * pre)
    e2 = jnp.dot(L, att2[...], preferred_element_type=jnp.float32)
    mask = cnt > 0
    M = jnp.max(jnp.where(mask, e2, NEG))
    ex2 = jnp.where(mask, cnt * jnp.exp(e2 - M), 0.0)
    Z = jnp.sum(ex2)
    u = lax.dot_general(ex2, hl2, (((0,), (0,)), ((), ())),
                        preferred_element_type=jnp.float32) / Z
    hh = jnp.maximum(u + ohb[...], 0.0)
    v = jnp.dot(hh, vfw[...], preferred_element_type=jnp.float32) + vfb[...]
    out_ref[...] = jnp.broadcast_to(jnp.reshape(v, (1, 1, 1)), (1, 1, 128))


def kernel(head_node, objective_nodes, value_nodes, ei_vo_src, ei_vo_dst,
           ei_oh_src, ei_oh_dst, opponent_encoding, vo_Wl, vo_bl, vo_Wr, vo_br,
           vo_att, vo_b, oh_Wl, oh_bl, oh_Wr, oh_br, oh_att, oh_b, vf_W, vf_b):
    f32 = jnp.float32
    loop = jnp.arange(NO, dtype=jnp.int32)
    boffv = (jnp.arange(B, dtype=jnp.int32) * NV)[:, None]
    boffo = (jnp.arange(B, dtype=jnp.int32) * NO)[:, None]
    gsrc = jnp.concatenate([ei_vo_src, jnp.broadcast_to(loop, (B, NO))], axis=1) + boffv
    gdst = jnp.concatenate([ei_vo_dst, jnp.broadcast_to(loop, (B, NO))], axis=1) + boffo
    rm = jnp.concatenate([ei_vo_src == ei_vo_dst, jnp.zeros((B, NO), bool)], axis=1)
    gsrc = jnp.concatenate([gsrc.reshape(-1), jnp.zeros((EP - ET,), jnp.int32)])
    gdst = jnp.concatenate([gdst.reshape(-1), jnp.zeros((EP - ET,), jnp.int32)])
    ebias = jnp.concatenate([
        jnp.where(rm, NEG, 0.0).astype(f32).reshape(-1),
        jnp.full((EP - ET,), NEG, f32)]).reshape(EP, 1)
    tblv = jnp.pad(value_nodes.reshape(B * NV, 4), ((0, 0), (0, 12)))
    tblo = jnp.pad(objective_nodes.reshape(B * NO, 2), ((0, 0), (0, 14)))
    cval = jnp.where(ei_oh_src == 0, 0.0, 1.0).astype(f32)
    cidx = (R1 + boffo + ei_oh_src).reshape(-1)
    sl_idx = R1 + jnp.arange(B, dtype=jnp.int32) * NO
    npad2 = E2P - B * E2 - B
    cval_all = jnp.concatenate([cval.reshape(-1), jnp.ones((B,), f32), jnp.zeros((npad2,), f32)])
    gdst2 = jnp.concatenate([cidx, sl_idx, jnp.full((npad2,), R1, jnp.int32)])
    V2 = jnp.zeros((E2P, 16), f32).at[:, 4].set(cval_all)
    zrows = jnp.zeros((ACC, 16), f32)
    wl16 = jnp.pad(vo_Wl, ((0, 12), (0, 0)))
    wr16 = jnp.pad(vo_Wr, ((0, 14), (0, 0)))
    b6 = (vo_bl + vo_br).reshape(1, H)
    att1 = vo_att.reshape(H, 1)
    bias1 = (vo_bl + vo_b).reshape(1, H)
    bl2 = oh_bl.reshape(1, H)
    att2 = oh_att.reshape(H, 1)
    br2 = oh_br.reshape(1, H)
    ohb = oh_b.reshape(1, H)
    onehot = (opponent_encoding[:, 0:1] ==
              jnp.arange(NA, dtype=opponent_encoding.dtype)[None, :]).astype(f32)
    hn16 = jnp.concatenate([head_node[:, 0, :], onehot, jnp.zeros((B, 6), f32)],
                           axis=1).reshape(B, 1, 16)
    wr2_16 = jnp.pad(oh_Wr, ((0, 6), (0, 0)))
    vfb = vf_b.reshape(1, 1)

    mesh = plsc.VectorSubcoreMesh(core_axis_name="c", subcore_axis_name="s",
                                  num_cores=NC, num_subcores=NS)

    zs_g, zd_g = pl.kernel(
        _sc_gather,
        out_type=(jax.ShapeDtypeStruct((EP, 16), f32),
                  jax.ShapeDtypeStruct((EP, 16), f32)),
        mesh=mesh,
        compiler_params=pltpu.CompilerParams(use_tc_tiling_on_sc=False),
        scratch_types=[pltpu.VMEM((CH,), jnp.int32),
                       pltpu.VMEM((CH, 16), f32),
                       pltpu.SemaphoreType.DMA],
    )(tblv, tblo, gsrc, gdst)

    e_arr, m_arr = pl.pallas_call(
        _tc_logits,
        grid=(NBLK,),
        in_specs=[
            pl.BlockSpec((BLK, 16), lambda i: (i, 0)),
            pl.BlockSpec((BLK, 16), lambda i: (i, 0)),
            pl.BlockSpec((BLK, 1), lambda i: (i, 0)),
            pl.BlockSpec((16, H), lambda i: (0, 0)),
            pl.BlockSpec((16, H), lambda i: (0, 0)),
            pl.BlockSpec((1, H), lambda i: (0, 0)),
            pl.BlockSpec((H, 1), lambda i: (0, 0)),
        ],
        out_specs=[pl.BlockSpec((BLK, 1), lambda i: (i, 0)),
                   pl.BlockSpec((1, 1), lambda i: (0, 0))],
        out_shape=[jax.ShapeDtypeStruct((EP, 1), f32),
                   jax.ShapeDtypeStruct((1, 1), f32)],
    )(zs_g, zd_g, ebias, wl16, wr16, b6, att1)

    V = pl.pallas_call(
        _tc_weights,
        grid=(NBLK,),
        in_specs=[
            pl.BlockSpec((BLK, 1), lambda i: (i, 0)),
            pl.BlockSpec((1, 1), lambda i: (0, 0)),
            pl.BlockSpec((BLK, 16), lambda i: (i, 0)),
        ],
        out_specs=pl.BlockSpec((BLK, 16), lambda i: (i, 0)),
        out_shape=jax.ShapeDtypeStruct((EP, 16), f32),
    )(e_arr, m_arr, zs_g)

    part = pl.kernel(
        _sc_scatter,
        out_type=jax.ShapeDtypeStruct((2 * ACC, 16), f32),
        mesh=mesh,
        compiler_params=pltpu.CompilerParams(use_tc_tiling_on_sc=False),
        scratch_types=[pltpu.VMEM((CH,), jnp.int32),
                       pltpu.VMEM((CH, 16), f32),
                       pltpu.VMEM_SHARED((ACC, 16), f32),
                       pltpu.SemaphoreType.DMA],
    )(V, gdst, V2, gdst2, zrows)

    outv = pl.pallas_call(
        _tc_final,
        grid=(B,),
        in_specs=[
            pl.BlockSpec((NO, 16), lambda b: (b, 0)),
            pl.BlockSpec((NO, 16), lambda b: (8 + b, 0)),
            pl.BlockSpec((NO, 16), lambda b: (4 + b, 0)),
            pl.BlockSpec((NO, 16), lambda b: (12 + b, 0)),
            pl.BlockSpec((4, H), lambda b: (0, 0)),
            pl.BlockSpec((1, H), lambda b: (0, 0)),
            pl.BlockSpec((H, H), lambda b: (0, 0)),
            pl.BlockSpec((1, H), lambda b: (0, 0)),
            pl.BlockSpec((H, 1), lambda b: (0, 0)),
            pl.BlockSpec((1, 1, 16), lambda b: (b, 0, 0)),
            pl.BlockSpec((16, H), lambda b: (0, 0)),
            pl.BlockSpec((1, H), lambda b: (0, 0)),
            pl.BlockSpec((1, H), lambda b: (0, 0)),
            pl.BlockSpec((H, 1), lambda b: (0, 0)),
            pl.BlockSpec((1, 1), lambda b: (0, 0)),
        ],
        out_specs=pl.BlockSpec((1, 1, 128), lambda b: (b, 0, 0)),
        out_shape=jax.ShapeDtypeStruct((B, 1, 128), f32),
    )(part, part, part, part, vo_Wl, bias1, oh_Wl, bl2, att2, hn16, wr2_16,
      br2, ohb, vf_W, vfb)
    return outv[:, 0, 0]

# --- scband reference (transcript-rebuilt; emitter-appended) ---
"""Pipeline reference for scband-attention-graph-to-graph3-17841294148104 (READ-ONLY COPY).

The authoritative reference and input builder live on the scoring server;
editing this copy changes nothing except your own understanding.
"""

import jax, jax.numpy as jnp
import numpy as np

B = 4
NV = 50000
NO = 2000
E1 = 100000
E2 = 2000
H = 512
NA = 8


def _leaky(x):
    return jnp.where(x > 0, x, 0.2 * x)


def _gatv2(x_src, x_dst, src, dst, Wl, bl, Wr, br, att, bias):
    # Faithful PyG GATv2Conv (heads=1, concat=True, negative_slope=0.2, add_self_loops=True)
    Nsrc = x_src.shape[0]
    Ndst = x_dst.shape[0]
    hl = x_src @ Wl + bl
    hr = x_dst @ Wr + br
    n_loop = min(Nsrc, Ndst)
    loop = jnp.arange(n_loop, dtype=src.dtype)
    src_all = jnp.concatenate([src, loop])
    dst_all = jnp.concatenate([dst, loop])
    e = _leaky(hl[src_all] + hr[dst_all]) @ att
    # PyG remove_self_loops: mask out pre-existing src==dst edges before softmax
    rm = jnp.concatenate([src == dst, jnp.zeros((n_loop,), dtype=bool)])
    e = jnp.where(rm, -1e30, e)
    emax = jnp.full((Ndst,), -jnp.inf, dtype=e.dtype).at[dst_all].max(e)
    emax = jax.lax.stop_gradient(emax)
    ex = jnp.exp(e - emax[dst_all])
    denom = jnp.zeros((Ndst,), dtype=e.dtype).at[dst_all].add(ex)
    alpha = ex / denom[dst_all]
    out = jnp.zeros((Ndst, hl.shape[1]), dtype=hl.dtype).at[dst_all].add(alpha[:, None] * hl[src_all])
    return out + bias


def setup_inputs(seed: int = 0):
    key = jax.random.key(seed)
    ks = jax.random.split(key, 24)
    inp = {}
    inp['head_node'] = jax.random.normal(ks[0], (B, 1, 2), jnp.float32)
    inp['objective_nodes'] = jax.random.normal(ks[1], (B, NO, 2), jnp.float32)
    inp['value_nodes'] = jax.random.normal(ks[2], (B, NV, 4), jnp.float32)
    inp['ei_vo_src'] = jax.random.randint(ks[3], (B, E1), 0, NV, dtype=jnp.int32)
    inp['ei_vo_dst'] = jax.random.randint(ks[4], (B, E1), 0, NO, dtype=jnp.int32)
    inp['ei_oh_src'] = jax.random.randint(ks[5], (B, E2), 0, NO, dtype=jnp.int32)
    inp['ei_oh_dst'] = jnp.zeros((B, E2), dtype=jnp.int32)
    inp['opponent_encoding'] = jax.random.randint(ks[6], (B, 1), 0, NA, dtype=jnp.int32)
    # GATv2 val_obj: in (4, 2) -> H
    inp['vo_Wl'] = jax.random.normal(ks[7], (4, H), jnp.float32) * 0.5
    inp['vo_bl'] = jnp.zeros((H,), jnp.float32)
    inp['vo_Wr'] = jax.random.normal(ks[8], (2, H), jnp.float32) * 0.5
    inp['vo_br'] = jnp.zeros((H,), jnp.float32)
    inp['vo_att'] = jax.random.normal(ks[9], (H,), jnp.float32) * (1.0 / np.sqrt(H))
    inp['vo_b'] = jnp.zeros((H,), jnp.float32)
    # GATv2 obj_head: in (H, 2+NA) -> H
    inp['oh_Wl'] = jax.random.normal(ks[10], (H, H), jnp.float32) * (1.0 / np.sqrt(H))
    inp['oh_bl'] = jnp.zeros((H,), jnp.float32)
    inp['oh_Wr'] = jax.random.normal(ks[11], (2 + NA, H), jnp.float32) * 0.3
    inp['oh_br'] = jnp.zeros((H,), jnp.float32)
    inp['oh_att'] = jax.random.normal(ks[12], (H,), jnp.float32) * (1.0 / np.sqrt(H))
    inp['oh_b'] = jnp.zeros((H,), jnp.float32)
    # value head
    inp['vf_W'] = jax.random.normal(ks[13], (H, 1), jnp.float32) * (1.0 / np.sqrt(H))
    inp['vf_b'] = jnp.zeros((1,), jnp.float32)
    return inp


def reference(head_node, objective_nodes, value_nodes, ei_vo_src, ei_vo_dst, ei_oh_src, ei_oh_dst, opponent_encoding, vo_Wl, vo_bl, vo_Wr, vo_br, vo_att, vo_b, oh_Wl, oh_bl, oh_Wr, oh_br, oh_att, oh_b, vf_W, vf_b):
    # AttentionGraphToGraph3.get_value with use_opponent_encoding=True
    onehot = jax.nn.one_hot(opponent_encoding[:, 0], NA, dtype=head_node.dtype)[:, None, :]
    hn = jnp.concatenate([head_node, onehot], axis=-1)
    outs = []
    for b in range(B):
        h_obj = jax.nn.relu(_gatv2(value_nodes[b], objective_nodes[b], ei_vo_src[b], ei_vo_dst[b], vo_Wl, vo_bl, vo_Wr, vo_br, vo_att, vo_b))
        h_head = jax.nn.relu(_gatv2(h_obj, hn[b], ei_oh_src[b], ei_oh_dst[b], oh_Wl, oh_bl, oh_Wr, oh_br, oh_att, oh_b))
        outs.append(h_head)
    h = jnp.concatenate(outs, axis=0)
    vf_out = (h @ vf_W + vf_b)[:, 0]
    return vf_out

if __name__ == "__main__":
    import jax
    _d = setup_inputs()
    print(jax.jit(kernel)(*tuple(_d.values())))

</pallas_src>

<mosaic_0001>
#map = affine_map<(d0, d1) -> (0, 0)>
#map1 = affine_map<(d0, d1) -> (0)>
module attributes {stable_mosaic.version = 14 : i64} {
  func.func @_sc_gather(%arg0: i32, %arg1: i32, %arg2: memref<200000x16xf32, #tpu.memory_space<hbm>>, %arg3: memref<8000x16xf32, #tpu.memory_space<hbm>>, %arg4: memref<409600xi32, #tpu.memory_space<hbm>>, %arg5: memref<409600xi32, #tpu.memory_space<hbm>>, %arg6: memref<409600x16xf32, #tpu.memory_space<hbm>>, %arg7: memref<409600x16xf32, #tpu.memory_space<hbm>>, %arg8: memref<128xi32, #tpu.memory_space<vmem>>, %arg9: memref<128x16xf32, #tpu.memory_space<vmem>>, %arg10: memref<!tpu.dma_semaphore, #tpu.memory_space<semaphore_mem>>) attributes {dimension_semantics = [#tpu.dimension_semantics<core_parallel>, #tpu.dimension_semantics<subcore_parallel>], iteration_bounds = array<i64: 2, 16>, scalar_prefetch = 0 : i64, scratch_operands = 3 : i64, tpu.core_type = #tpu.core_type<sc_vector_subcore>, window_params = [{transform_indices = #map}, {transform_indices = #map}, {transform_indices = #map1}, {transform_indices = #map1}, {transform_indices = #map}, {transform_indices = #map}]} {
    %mul3A = arith.constant 2 : i32
    %mul3A_0 = arith.muli %arg1, %mul3A : i32
    %add3A = arith.addi %mul3A_0, %arg0 : i32
    %scan3A = arith.constant 0 : i32
    %scan3A_1 = arith.constant 0 : i32
    %scan3A_2 = arith.constant 100 : i32
    %scan3A_3 = arith.addi %scan3A_1, %scan3A_2 : i32
    %scan3A_4 = arith.constant 1 : i32
    scf.for %scan3A_6 = %scan3A_1 to %scan3A_3 step %scan3A_4  : i32 {
      %mul3A_7 = arith.constant 12800 : i32
      %mul3A_8 = arith.muli %add3A, %mul3A_7 : i32
      %mul3A_9 = arith.constant 128 : i32
      %mul3A_10 = arith.muli %scan3A_6, %mul3A_9 : i32
      %add3A_11 = arith.addi %mul3A_8, %mul3A_10 : i32
      "tpu.region"() ({
        %run_scoped3A = tpu.sem_alloc : memref<!tpu.dma_semaphore, #tpu.memory_space<semaphore_mem>>
        %dma_start3A_22 = tpu.memref_slice %arg4[%add3A_11] : memref<409600xi32, #tpu.memory_space<hbm>> -> memref<128xi32, #tpu.memory_space<hbm>>
        %dma_start3A_23 = tpu.memref_slice %arg4[%add3A_11] : memref<409600xi32, #tpu.memory_space<hbm>> -> memref<128xi32, #tpu.memory_space<hbm>>
        tpu.enqueue_dma source(%dma_start3A_23 : memref<128xi32, #tpu.memory_space<hbm>>) target(%arg8 : memref<128xi32, #tpu.memory_space<vmem>>) target_semaphore(%run_scoped3A : memref<!tpu.dma_semaphore, #tpu.memory_space<semaphore_mem>>)
        %dma_wait3A_24 = tpu.memref_slice %arg4[%add3A_11] : memref<409600xi32, #tpu.memory_space<hbm>> -> memref<128xi32, #tpu.memory_space<hbm>>
        %dma_wait3A_25 = tpu.memref_slice %arg4[%add3A_11] : memref<409600xi32, #tpu.memory_space<hbm>> -> memref<128xi32, #tpu.memory_space<hbm>>
        tpu.wait_dma2 semaphore(%run_scoped3A : memref<!tpu.dma_semaphore, #tpu.memory_space<semaphore_mem>>) src(%dma_wait3A_25 : memref<128xi32, #tpu.memory_space<hbm>>) dst(%arg8 : memref<128xi32, #tpu.memory_space<vmem>>)
        tpu.yield
      }) : () -> ()
      %dma_start3A = arith.constant 0 : i32
      %dma_start3A_12 = arith.constant 0 : i32
      %dma_start3A_13 = tpu.memref_slice %arg2[%dma_start3A, %dma_start3A_12] : memref<200000x16xf32, #tpu.memory_space<hbm>> -> memref<200000x16xf32, #tpu.memory_space<hbm>>
      tpu.enqueue_indirect_dma source(%dma_start3A_13 : memref<200000x16xf32, #tpu.memory_space<hbm>>) target(%arg9 : memref<128x16xf32, #tpu.memory_space<vmem>>) offsets(%arg8 : memref<128xi32, #tpu.memory_space<vmem>>) semaphore(%arg10 : memref<!tpu.dma_semaphore, #tpu.memory_space<semaphore_mem>>)
      %dma_wait3A = arith.constant 0 : i32
      %dma_wait3A_14 = arith.constant 0 : i32
      %dma_wait3A_15 = tpu.memref_slice %arg2[%dma_wait3A, %dma_wait3A_14] : memref<200000x16xf32, #tpu.memory_space<hbm>> -> memref<200000x16xf32, #tpu.memory_space<hbm>>
      tpu.wait_indirect_dma semaphore(%arg10 : memref<!tpu.dma_semaphore, #tpu.memory_space<semaphore_mem>>) src(%dma_wait3A_15 : memref<200000x16xf32, #tpu.memory_space<hbm>>) dst(%arg9 : memref<128x16xf32, #tpu.memory_space<vmem>>)
      "tpu.region"() ({
        %run_scoped3A = tpu.sem_alloc : memref<!tpu.dma_semaphore, #tpu.memory_space<semaphore_mem>>
        %dma_start3A_22 = arith.constant 0 : i32
        %dma_start3A_23 = tpu.memref_slice %arg6[%add3A_11, %dma_start3A_22] : memref<409600x16xf32, #tpu.memory_space<hbm>> -> memref<128x16xf32, #tpu.memory_space<hbm>>
        %dma_start3A_24 = arith.constant 0 : i32
        %dma_start3A_25 = tpu.memref_slice %arg6[%add3A_11, %dma_start3A_24] : memref<409600x16xf32, #tpu.memory_space<hbm>> -> memref<128x16xf32, #tpu.memory_space<hbm>>
        tpu.enqueue_dma source(%arg9 : memref<128x16xf32, #tpu.memory_space<vmem>>) target(%dma_start3A_25 : memref<128x16xf32, #tpu.memory_space<hbm>>) target_semaphore(%run_scoped3A : memref<!tpu.dma_semaphore, #tpu.memory_space<semaphore_mem>>)
        %dma_wait3A_26 = arith.constant 0 : i32
        %dma_wait3A_27 = tpu.memref_slice %arg6[%add3A_11, %dma_wait3A_26] : memref<409600x16xf32, #tpu.memory_space<hbm>> -> memref<128x16xf32, #tpu.memory_space<hbm>>
        %dma_wait3A_28 = arith.constant 0 : i32
        %dma_wait3A_29 = tpu.memref_slice %arg6[%add3A_11, %dma_wait3A_28] : memref<409600x16xf32, #tpu.memory_space<hbm>> -> memref<128x16xf32, #tpu.memory_space<hbm>>
        tpu.wait_dma2 semaphore(%run_scoped3A : memref<!tpu.dma_semaphore, #tpu.memory_space<semaphore_mem>>) src(%arg9 : memref<128x16xf32, #tpu.memory_space<vmem>>) dst(%dma_wait3A_29 : memref<128x16xf32, #tpu.memory_space<hbm>>)
        tpu.yield
      }) : () -> ()
      "tpu.region"() ({
        %run_scoped3A = tpu.sem_alloc : memref<!tpu.dma_semaphore, #tpu.memory_space<semaphore_mem>>
        %dma_start3A_22 = tpu.memref_slice %arg5[%add3A_11] : memref<409600xi32, #tpu.memory_space<hbm>> -> memref<128xi32, #tpu.memory_space<hbm>>
        %dma_start3A_23 = tpu.memref_slice %arg5[%add3A_11] : memref<409600xi32, #tpu.memory_space<hbm>> -> memref<128xi32, #tpu.memory_space<hbm>>
        tpu.enqueue_dma source(%dma_start3A_23 : memref<128xi32, #tpu.memory_space<hbm>>) target(%arg8 : memref<128xi32, #tpu.memory_space<vmem>>) target_semaphore(%run_scoped3A : memref<!tpu.dma_semaphore, #tpu.memory_space<semaphore_mem>>)
        %dma_wait3A_24 = tpu.memref_slice %arg5[%add3A_11] : memref<409600xi32, #tpu.memory_space<hbm>> -> memref<128xi32, #tpu.memory_space<hbm>>
        %dma_wait3A_25 = tpu.memref_slice %arg5[%add3A_11] : memref<409600xi32, #tpu.memory_space<hbm>> -> memref<128xi32, #tpu.memory_space<hbm>>
        tpu.wait_dma2 semaphore(%run_scoped3A : memref<!tpu.dma_semaphore, #tpu.memory_space<semaphore_mem>>) src(%dma_wait3A_25 : memref<128xi32, #tpu.memory_space<hbm>>) dst(%arg8 : memref<128xi32, #tpu.memory_space<vmem>>)
        tpu.yield
      }) : () -> ()
      %dma_start3A_16 = arith.constant 0 : i32
      %dma_start3A_17 = arith.constant 0 : i32
      %dma_start3A_18 = tpu.memref_slice %arg3[%dma_start3A_16, %dma_start3A_17] : memref<8000x16xf32, #tpu.memory_space<hbm>> -> memref<8000x16xf32, #tpu.memory_space<hbm>>
      tpu.enqueue_indirect_dma source(%dma_start3A_18 : memref<8000x16xf32, #tpu.memory_space<hbm>>) target(%arg9 : memref<128x16xf32, #tpu.memory_space<vmem>>) offsets(%arg8 : memref<128xi32, #tpu.memory_space<vmem>>) semaphore(%arg10 : memref<!tpu.dma_semaphore, #tpu.memory_space<semaphore_mem>>)
      %dma_wait3A_19 = arith.constant 0 : i32
      %dma_wait3A_20 = arith.constant 0 : i32
      %dma_wait3A_21 = tpu.memref_slice %arg3[%dma_wait3A_19, %dma_wait3A_20] : memref<8000x16xf32, #tpu.memory_space<hbm>> -> memref<8000x16xf32, #tpu.memory_space<hbm>>
      tpu.wait_indirect_dma semaphore(%arg10 : memref<!tpu.dma_semaphore, #tpu.memory_space<semaphore_mem>>) src(%dma_wait3A_21 : memref<8000x16xf32, #tpu.memory_space<hbm>>) dst(%arg9 : memref<128x16xf32, #tpu.memory_space<vmem>>)
      "tpu.region"() ({
        %run_scoped3A = tpu.sem_alloc : memref<!tpu.dma_semaphore, #tpu.memory_space<semaphore_mem>>
        %dma_start3A_22 = arith.constant 0 : i32
        %dma_start3A_23 = tpu.memref_slice %arg7[%add3A_11, %dma_start3A_22] : memref<409600x16xf32, #tpu.memory_space<hbm>> -> memref<128x16xf32, #tpu.memory_space<hbm>>
        %dma_start3A_24 = arith.constant 0 : i32
        %dma_start3A_25 = tpu.memref_slice %arg7[%add3A_11, %dma_start3A_24] : memref<409600x16xf32, #tpu.memory_space<hbm>> -> memref<128x16xf32, #tpu.memory_space<hbm>>
        tpu.enqueue_dma source(%arg9 : memref<128x16xf32, #tpu.memory_space<vmem>>) target(%dma_start3A_25 : memref<128x16xf32, #tpu.memory_space<hbm>>) target_semaphore(%run_scoped3A : memref<!tpu.dma_semaphore, #tpu.memory_space<semaphore_mem>>)
        %dma_wait3A_26 = arith.constant 0 : i32
        %dma_wait3A_27 = tpu.memref_slice %arg7[%add3A_11, %dma_wait3A_26] : memref<409600x16xf32, #tpu.memory_space<hbm>> -> memref<128x16xf32, #tpu.memory_space<hbm>>
        %dma_wait3A_28 = arith.constant 0 : i32
        %dma_wait3A_29 = tpu.memref_slice %arg7[%add3A_11, %dma_wait3A_28] : memref<409600x16xf32, #tpu.memory_space<hbm>> -> memref<128x16xf32, #tpu.memory_space<hbm>>
        tpu.wait_dma2 semaphore(%run_scoped3A : memref<!tpu.dma_semaphore, #tpu.memory_space<semaphore_mem>>) src(%arg9 : memref<128x16xf32, #tpu.memory_space<vmem>>) dst(%dma_wait3A_29 : memref<128x16xf32, #tpu.memory_space<hbm>>)
        tpu.yield
      }) : () -> ()
    }
    %scan3A_5 = arith.constant 100 : i32
    return
  }
}

#map = affine_map<(d0, d1) -> (0, 0)>
#map1 = affine_map<(d0, d1) -> (0)>
module attributes {stable_mosaic.version = 14 : i64} {
  func.func @_sc_scatter(%arg0: i32, %arg1: i32, %arg2: memref<409600x16xf32, #tpu.memory_space<hbm>>, %arg3: memref<409600xi32, #tpu.memory_space<hbm>>, %arg4: memref<8192x16xf32, #tpu.memory_space<hbm>>, %arg5: memref<8192xi32, #tpu.memory_space<hbm>>, %arg6: memref<16000x16xf32, #tpu.memory_space<hbm>>, %arg7: memref<32000x16xf32, #tpu.memory_space<hbm>>, %arg8: memref<128xi32, #tpu.memory_space<vmem>>, %arg9: memref<128x16xf32, #tpu.memory_space<vmem>>, %arg10: memref<16000x16xf32, #tpu.memory_space<vmem_shared>>, %arg11: memref<!tpu.dma_semaphore, #tpu.memory_space<semaphore_mem>>) attributes {dimension_semantics = [#tpu.dimension_semantics<core_parallel>, #tpu.dimension_semantics<subcore_parallel>], iteration_bounds = array<i64: 2, 16>, scalar_prefetch = 0 : i64, scratch_operands = 4 : i64, tpu.core_type = #tpu.core_type<sc_vector_subcore>, window_params = [{transform_indices = #map}, {transform_indices = #map1}, {transform_indices = #map}, {transform_indices = #map1}, {transform_indices = #map}, {transform_indices = #map}]} {
    %mul3A = arith.constant 2 : i32
    %mul3A_0 = arith.muli %arg1, %mul3A : i32
    %add3A = arith.addi %mul3A_0, %arg0 : i32
    %mul3A_1 = arith.constant 1000 : i32
    %mul3A_2 = arith.muli %arg1, %mul3A_1 : i32
    %mul3A_3 = arith.constant 1000 : i32
    %mul3A_4 = arith.muli %arg1, %mul3A_3 : i32
    "tpu.region"() ({
      %run_scoped3A = tpu.sem_alloc : memref<!tpu.dma_semaphore, #tpu.memory_space<semaphore_mem>>
      %dma_start3A = arith.constant 0 : i32
      %dma_start3A_24 = tpu.memref_slice %arg10[%mul3A_4, %dma_start3A] : memref<16000x16xf32, #tpu.memory_space<vmem_shared>> -> memref<1000x16xf32, #tpu.memory_space<vmem_shared>>
      %dma_start3A_25 = arith.constant 0 : i32
      %dma_start3A_26 = tpu.memref_slice %arg6[%mul3A_2, %dma_start3A_25] : memref<16000x16xf32, #tpu.memory_space<hbm>> -> memref<1000x16xf32, #tpu.memory_space<hbm>>
      tpu.enqueue_dma source(%dma_start3A_26 : memref<1000x16xf32, #tpu.memory_space<hbm>>) target(%dma_start3A_24 : memref<1000x16xf32, #tpu.memory_space<vmem_shared>>) target_semaphore(%run_scoped3A : memref<!tpu.dma_semaphore, #tpu.memory_space<semaphore_mem>>)
      %dma_wait3A = arith.constant 0 : i32
      %dma_wait3A_27 = tpu.memref_slice %arg10[%mul3A_4, %dma_wait3A] : memref<16000x16xf32, #tpu.memory_space<vmem_shared>> -> memref<1000x16xf32, #tpu.memory_space<vmem_shared>>
      %dma_wait3A_28 = arith.constant 0 : i32
      %dma_wait3A_29 = tpu.memref_slice %arg6[%mul3A_2, %dma_wait3A_28] : memref<16000x16xf32, #tpu.memory_space<hbm>> -> memref<1000x16xf32, #tpu.memory_space<hbm>>
      tpu.wait_dma2 semaphore(%run_scoped3A : memref<!tpu.dma_semaphore, #tpu.memory_space<semaphore_mem>>) src(%dma_wait3A_29 : memref<1000x16xf32, #tpu.memory_space<hbm>>) dst(%dma_wait3A_27 : memref<1000x16xf32, #tpu.memory_space<vmem_shared>>)
      tpu.yield
    }) : () -> ()
    %barrier3A = arith.constant 0 : index
    tpu.barrier barrier_id(%barrier3A)
    %scan3A = arith.constant 0 : i32
    %scan3A_5 = arith.constant 0 : i32
    %scan3A_6 = arith.constant 100 : i32
    %scan3A_7 = arith.addi %scan3A_5, %scan3A_6 : i32
    %scan3A_8 = arith.constant 1 : i32
    scf.for %scan3A_24 = %scan3A_5 to %scan3A_7 step %scan3A_8  : i32 {
      %mul3A_25 = arith.constant 12800 : i32
      %mul3A_26 = arith.muli %add3A, %mul3A_25 : i32
      %mul3A_27 = arith.constant 128 : i32
      %mul3A_28 = arith.muli %scan3A_24, %mul3A_27 : i32
      %add3A_29 = arith.addi %mul3A_26, %mul3A_28 : i32
      "tpu.region"() ({
        %run_scoped3A = tpu.sem_alloc : memref<!tpu.dma_semaphore, #tpu.memory_space<semaphore_mem>>
        %dma_start3A = tpu.memref_slice %arg3[%add3A_29] : memref<409600xi32, #tpu.memory_space<hbm>> -> memref<128xi32, #tpu.memory_space<hbm>>
        %dma_start3A_30 = tpu.memref_slice %arg3[%add3A_29] : memref<409600xi32, #tpu.memory_space<hbm>> -> memref<128xi32, #tpu.memory_space<hbm>>
        tpu.enqueue_dma source(%dma_start3A_30 : memref<128xi32, #tpu.memory_space<hbm>>) target(%arg8 : memref<128xi32, #tpu.memory_space<vmem>>) target_semaphore(%run_scoped3A : memref<!tpu.dma_semaphore, #tpu.memory_space<semaphore_mem>>)
        %dma_wait3A = tpu.memref_slice %arg3[%add3A_29] : memref<409600xi32, #tpu.memory_space<hbm>> -> memref<128xi32, #tpu.memory_space<hbm>>
        %dma_wait3A_31 = tpu.memref_slice %arg3[%add3A_29] : memref<409600xi32, #tpu.memory_space<hbm>> -> memref<128xi32, #tpu.memory_space<hbm>>
        tpu.wait_dma2 semaphore(%run_scoped3A : memref<!tpu.dma_semaphore, #tpu.memory_space<semaphore_mem>>) src(%dma_wait3A_31 : memref<128xi32, #tpu.memory_space<hbm>>) dst(%arg8 : memref<128xi32, #tpu.memory_space<vmem>>)
        tpu.yield
      }) : () -> ()
      "tpu.region"() ({
        %run_scoped3A = tpu.sem_alloc : memref<!tpu.dma_semaphore, #tpu.memory_space<semaphore_mem>>
        %dma_start3A = arith.constant 0 : i32
        %dma_start3A_30 = tpu.memref_slice %arg2[%add3A_29, %dma_start3A] : memref<409600x16xf32, #tpu.memory_space<hbm>> -> memref<128x16xf32, #tpu.memory_space<hbm>>
        %dma_start3A_31 = arith.constant 0 : i32
        %dma_start3A_32 = tpu.memref_slice %arg2[%add3A_29, %dma_start3A_31] : memref<409600x16xf32, #tpu.memory_space<hbm>> -> memref<128x16xf32, #tpu.memory_space<hbm>>
        tpu.enqueue_dma source(%dma_start3A_32 : memref<128x16xf32, #tpu.memory_space<hbm>>) target(%arg9 : memref<128x16xf32, #tpu.memory_space<vmem>>) target_semaphore(%run_scoped3A : memref<!tpu.dma_semaphore, #tpu.memory_space<semaphore_mem>>)
        %dma_wait3A = arith.constant 0 : i32
        %dma_wait3A_33 = tpu.memref_slice %arg2[%add3A_29, %dma_wait3A] : memref<409600x16xf32, #tpu.memory_space<hbm>> -> memref<128x16xf32, #tpu.memory_space<hbm>>
        %dma_wait3A_34 = arith.constant 0 : i32
        %dma_wait3A_35 = tpu.memref_slice %arg2[%add3A_29, %dma_wait3A_34] : memref<409600x16xf32, #tpu.memory_space<hbm>> -> memref<128x16xf32, #tpu.memory_space<hbm>>
        tpu.wait_dma2 semaphore(%run_scoped3A : memref<!tpu.dma_semaphore, #tpu.memory_space<semaphore_mem>>) src(%dma_wait3A_35 : memref<128x16xf32, #tpu.memory_space<hbm>>) dst(%arg9 : memref<128x16xf32, #tpu.memory_space<vmem>>)
        tpu.yield
      }) : () -> ()
      "tpu.region"() ({
        %run_scoped3A = tpu.sem_alloc : memref<!tpu.dma_semaphore, #tpu.memory_space<semaphore_mem>>
        %dma_start3A = arith.constant 0 : i32
        %dma_start3A_30 = arith.constant 0 : i32
        %dma_start3A_31 = tpu.memref_slice %arg10[%dma_start3A, %dma_start3A_30] : memref<16000x16xf32, #tpu.memory_space<vmem_shared>> -> memref<16000x16xf32, #tpu.memory_space<vmem_shared>>
        tpu.enqueue_indirect_dma source(%arg9 : memref<128x16xf32, #tpu.memory_space<vmem>>) target(%dma_start3A_31 : memref<16000x16xf32, #tpu.memory_space<vmem_shared>>) offsets(%arg8 : memref<128xi32, #tpu.memory_space<vmem>>) semaphore(%run_scoped3A : memref<!tpu.dma_semaphore, #tpu.memory_space<semaphore_mem>>) {add = true}
        %dma_wait3A = arith.constant 0 : i32
        %dma_wait3A_32 = arith.constant 0 : i32
        %dma_wait3A_33 = tpu.memref_slice %arg10[%dma_wait3A, %dma_wait3A_32] : memref<16000x16xf32, #tpu.memory_space<vmem_shared>> -> memref<16000x16xf32, #tpu.memory_space<vmem_shared>>
        tpu.wait_indirect_dma semaphore(%run_scoped3A : memref<!tpu.dma_semaphore, #tpu.memory_space<semaphore_mem>>) src(%arg9 : memref<128x16xf32, #tpu.memory_space<vmem>>) dst(%dma_wait3A_33 : memref<16000x16xf32, #tpu.memory_space<vmem_shared>>)
        tpu.yield
      }) : () -> ()
    }
    %scan3A_9 = arith.constant 100 : i32
    %scan3A_10 = arith.constant 0 : i32
    %scan3A_11 = arith.constant 0 : i32
    %scan3A_12 = arith.constant 2 : i32
    %scan3A_13 = arith.addi %scan3A_11, %scan3A_12 : i32
    %scan3A_14 = arith.constant 1 : i32
    scf.for %scan3A_24 = %scan3A_11 to %scan3A_13 step %scan3A_14  : i32 {
      %mul3A_25 = arith.constant 256 : i32
      %mul3A_26 = arith.muli %add3A, %mul3A_25 : i32
      %mul3A_27 = arith.constant 128 : i32
      %mul3A_28 = arith.muli %scan3A_24, %mul3A_27 : i32
      %add3A_29 = arith.addi %mul3A_26, %mul3A_28 : i32
      "tpu.region"() ({
        %run_scoped3A = tpu.sem_alloc : memref<!tpu.dma_semaphore, #tpu.memory_space<semaphore_mem>>
        %dma_start3A = tpu.memref_slice %arg5[%add3A_29] : memref<8192xi32, #tpu.memory_space<hbm>> -> memref<128xi32, #tpu.memory_space<hbm>>
        %dma_start3A_30 = tpu.memref_slice %arg5[%add3A_29] : memref<8192xi32, #tpu.memory_space<hbm>> -> memref<128xi32, #tpu.memory_space<hbm>>
        tpu.enqueue_dma source(%dma_start3A_30 : memref<128xi32, #tpu.memory_space<hbm>>) target(%arg8 : memref<128xi32, #tpu.memory_space<vmem>>) target_semaphore(%run_scoped3A : memref<!tpu.dma_semaphore, #tpu.memory_space<semaphore_mem>>)
        %dma_wait3A = tpu.memref_slice %arg5[%add3A_29] : memref<8192xi32, #tpu.memory_space<hbm>> -> memref<128xi32, #tpu.memory_space<hbm>>
        %dma_wait3A_31 = tpu.memref_slice %arg5[%add3A_29] : memref<8192xi32, #tpu.memory_space<hbm>> -> memref<128xi32, #tpu.memory_space<hbm>>
        tpu.wait_dma2 semaphore(%run_scoped3A : memref<!tpu.dma_semaphore, #tpu.memory_space<semaphore_mem>>) src(%dma_wait3A_31 : memref<128xi32, #tpu.memory_space<hbm>>) dst(%arg8 : memref<128xi32, #tpu.memory_space<vmem>>)
        tpu.yield
      }) : () -> ()
      "tpu.region"() ({
        %run_scoped3A = tpu.sem_alloc : memref<!tpu.dma_semaphore, #tpu.memory_space<semaphore_mem>>
        %dma_start3A = arith.constant 0 : i32
        %dma_start3A_30 = tpu.memref_slice %arg4[%add3A_29, %dma_start3A] : memref<8192x16xf32, #tpu.memory_space<hbm>> -> memref<128x16xf32, #tpu.memory_space<hbm>>
        %dma_start3A_31 = arith.constant 0 : i32
        %dma_start3A_32 = tpu.memref_slice %arg4[%add3A_29, %dma_start3A_31] : memref<8192x16xf32, #tpu.memory_space<hbm>> -> memref<128x16xf32, #tpu.memory_space<hbm>>
        tpu.enqueue_dma source(%dma_start3A_32 : memref<128x16xf32, #tpu.memory_space<hbm>>) target(%arg9 : memref<128x16xf32, #tpu.memory_space<vmem>>) target_semaphore(%run_scoped3A : memref<!tpu.dma_semaphore, #tpu.memory_space<semaphore_mem>>)
        %dma_wait3A = arith.constant 0 : i32
        %dma_wait3A_33 = tpu.memref_slice %arg4[%add3A_29, %dma_wait3A] : memref<8192x16xf32, #tpu.memory_space<hbm>> -> memref<128x16xf32, #tpu.memory_space<hbm>>
        %dma_wait3A_34 = arith.constant 0 : i32
        %dma_wait3A_35 = tpu.memref_slice %arg4[%add3A_29, %dma_wait3A_34] : memref<8192x16xf32, #tpu.memory_space<hbm>> -> memref<128x16xf32, #tpu.memory_space<hbm>>
        tpu.wait_dma2 semaphore(%run_scoped3A : memref<!tpu.dma_semaphore, #tpu.memory_space<semaphore_mem>>) src(%dma_wait3A_35 : memref<128x16xf32, #tpu.memory_space<hbm>>) dst(%arg9 : memref<128x16xf32, #tpu.memory_space<vmem>>)
        tpu.yield
      }) : () -> ()
      "tpu.region"() ({
        %run_scoped3A = tpu.sem_alloc : memref<!tpu.dma_semaphore, #tpu.memory_space<semaphore_mem>>
        %dma_start3A = arith.constant 0 : i32
        %dma_start3A_30 = arith.constant 0 : i32
        %dma_start3A_31 = tpu.memref_slice %arg10[%dma_start3A, %dma_start3A_30] : memref<16000x16xf32, #tpu.memory_space<vmem_shared>> -> memref<16000x16xf32, #tpu.memory_space<vmem_shared>>
        tpu.enqueue_indirect_dma source(%arg9 : memref<128x16xf32, #tpu.memory_space<vmem>>) target(%dma_start3A_31 : memref<16000x16xf32, #tpu.memory_space<vmem_shared>>) offsets(%arg8 : memref<128xi32, #tpu.memory_space<vmem>>) semaphore(%run_scoped3A : memref<!tpu.dma_semaphore, #tpu.memory_space<semaphore_mem>>) {add = true}
        %dma_wait3A = arith.constant 0 : i32
        %dma_wait3A_32 = arith.constant 0 : i32
        %dma_wait3A_33 = tpu.memref_slice %arg10[%dma_wait3A, %dma_wait3A_32] : memref<16000x16xf32, #tpu.memory_space<vmem_shared>> -> memref<16000x16xf32, #tpu.memory_space<vmem_shared>>
        tpu.wait_indirect_dma semaphore(%run_scoped3A : memref<!tpu.dma_semaphore, #tpu.memory_space<semaphore_mem>>) src(%arg9 : memref<128x16xf32, #tpu.memory_space<vmem>>) dst(%dma_wait3A_33 : memref<16000x16xf32, #tpu.memory_space<vmem_shared>>)
        tpu.yield
      }) : () -> ()
    }
    %scan3A_15 = arith.constant 2 : i32
    %barrier3A_16 = arith.constant 0 : index
    tpu.barrier barrier_id(%barrier3A_16)
    %mul3A_17 = arith.constant 1000 : i32
    %mul3A_18 = arith.muli %arg1, %mul3A_17 : i32
    %mul3A_19 = arith.constant 16000 : i32
    %mul3A_20 = arith.muli %arg0, %mul3A_19 : i32
    %mul3A_21 = arith.constant 1000 : i32
    %mul3A_22 = arith.muli %arg1, %mul3A_21 : i32
    %add3A_23 = arith.addi %mul3A_20, %mul3A_22 : i32
    "tpu.region"() ({
      %run_scoped3A = tpu.sem_alloc : memref<!tpu.dma_semaphore, #tpu.memory_space<semaphore_mem>>
      %dma_start3A = arith.constant 0 : i32
      %dma_start3A_24 = tpu.memref_slice %arg7[%add3A_23, %dma_start3A] : memref<32000x16xf32, #tpu.memory_space<hbm>> -> memref<1000x16xf32, #tpu.memory_space<hbm>>
      %dma_start3A_25 = arith.constant 0 : i32
      %dma_start3A_26 = tpu.memref_slice %arg10[%mul3A_18, %dma_start3A_25] : memref<16000x16xf32, #tpu.memory_space<vmem_shared>> -> memref<1000x16xf32, #tpu.memory_space<vmem_shared>>
      tpu.enqueue_dma source(%dma_start3A_26 : memref<1000x16xf32, #tpu.memory_space<vmem_shared>>) target(%dma_start3A_24 : memref<1000x16xf32, #tpu.memory_space<hbm>>) target_semaphore(%run_scoped3A : memref<!tpu.dma_semaphore, #tpu.memory_space<semaphore_mem>>)
      %dma_wait3A = arith.constant 0 : i32
      %dma_wait3A_27 = tpu.memref_slice %arg7[%add3A_23, %dma_wait3A] : memref<32000x16xf32, #tpu.memory_space<hbm>> -> memref<1000x16xf32, #tpu.memory_space<hbm>>
      %dma_wait3A_28 = arith.constant 0 : i32
      %dma_wait3A_29 = tpu.memref_slice %arg10[%mul3A_18, %dma_wait3A_28] : memref<16000x16xf32, #tpu.memory_space<vmem_shared>> -> memref<1000x16xf32, #tpu.memory_space<vmem_shared>>
      tpu.wait_dma2 semaphore(%run_scoped3A : memref<!tpu.dma_semaphore, #tpu.memory_space<semaphore_mem>>) src(%dma_wait3A_29 : memref<1000x16xf32, #tpu.memory_space<vmem_shared>>) dst(%dma_wait3A_27 : memref<1000x16xf32, #tpu.memory_space<hbm>>)
      tpu.yield
    }) : () -> ()
    return
  }
}

module attributes {stable_mosaic.version = 14 : i64} {
  func.func @_tc_logits(%arg0: i32, %arg1: memref<512x16xf32, #tpu.memory_space<vmem>>, %arg2: memref<512x16xf32, #tpu.memory_space<vmem>>, %arg3: memref<512x1xf32, #tpu.memory_space<vmem>>, %arg4: memref<16x512xf32, #tpu.memory_space<vmem>>, %arg5: memref<16x512xf32, #tpu.memory_space<vmem>>, %arg6: memref<1x512xf32, #tpu.memory_space<vmem>>, %arg7: memref<512x1xf32, #tpu.memory_space<vmem>>, %arg8: memref<512x1xf32, #tpu.memory_space<vmem>>, %arg9: memref<1x1xf32, #tpu.memory_space<vmem>>) attributes {dimension_semantics = [#tpu.dimension_semantics<arbitrary>], iteration_bounds = array<i64: 800>, scalar_prefetch = 0 : i64, scratch_operands = 0 : i64, tpu.core_type = #tpu.core_type<tc>, window_params = [{transform_indices = @transform_0, window_bounds = array<i64: 512, 16>}, {transform_indices = @transform_1, window_bounds = array<i64: 512, 16>}, {transform_indices = @transform_2, window_bounds = array<i64: 512, 1>}, {pipeline_mode = #tpu.pipeline_mode<synchronous>, transform_indices = @transform_3, window_bounds = array<i64: 16, 512>}, {pipeline_mode = #tpu.pipeline_mode<synchronous>, transform_indices = @transform_4, window_bounds = array<i64: 16, 512>}, {pipeline_mode = #tpu.pipeline_mode<synchronous>, transform_indices = @transform_5, window_bounds = array<i64: 1, 512>}, {pipeline_mode = #tpu.pipeline_mode<synchronous>, transform_indices = @transform_6, window_bounds = array<i64: 512, 1>}, {transform_indices = @transform_7, window_bounds = array<i64: 512, 1>}, {pipeline_mode = #tpu.pipeline_mode<synchronous>, transform_indices = @transform_8, window_bounds = array<i64: 1, 1>}]} {
    %get3A = arith.constant 0 : index
    %get3A_0 = arith.constant 0 : index
    %get3A_1 = vector.load %arg1[%get3A, %get3A_0] : memref<512x16xf32, #tpu.memory_space<vmem>>, vector<512x16xf32>
    %get3A_2 = arith.constant 0 : index
    %get3A_3 = arith.constant 0 : index
    %get3A_4 = vector.load %arg4[%get3A_2, %get3A_3] : memref<16x512xf32, #tpu.memory_space<vmem>>, vector<16x512xf32>
    %dot_general3A = arith.constant dense<0.000000e+00> : vector<512x512xf32>
    %dot_general3A_5 = tpu.matmul %get3A_1, %get3A_4, %dot_general3A {dimension_numbers = #tpu.dot_dimension_numbers<[1], [0], [0], [1], [0, 0, 1, 1], [], []>, transpose_lhs_hint = false} : vector<512x16xf32>, vector<16x512xf32>, vector<512x512xf32> -> vector<512x512xf32>
    %get3A_6 = arith.constant 0 : index
    %get3A_7 = arith.constant 0 : index
    %get3A_8 = vector.load %arg2[%get3A_6, %get3A_7] : memref<512x16xf32, #tpu.memory_space<vmem>>, vector<512x16xf32>
    %get3A_9 = arith.constant 0 : index
    %get3A_10 = arith.constant 0 : index
    %get3A_11 = vector.load %arg5[%get3A_9, %get3A_10] : memref<16x512xf32, #tpu.memory_space<vmem>>, vector<16x512xf32>
    %dot_general3A_12 = arith.constant dense<0.000000e+00> : vector<512x512xf32>
    %dot_general3A_13 = tpu.matmul %get3A_8, %get3A_11, %dot_general3A_12 {dimension_numbers = #tpu.dot_dimension_numbers<[1], [0], [0], [1], [0, 0, 1, 1], [], []>, transpose_lhs_hint = false} : vector<512x16xf32>, vector<16x512xf32>, vector<512x512xf32> -> vector<512x512xf32>
    %add3A = arith.addf %dot_general3A_5, %dot_general3A_13 : vector<512x512xf32>
    %get3A_14 = arith.constant 0 : index
    %get3A_15 = arith.constant 0 : index
    %get3A_16 = vector.load %arg6[%get3A_14, %get3A_15] : memref<1x512xf32, #tpu.memory_space<vmem>>, vector<1x512xf32>
    %add3A_17 = vector.broadcast %get3A_16 : vector<1x512xf32> to vector<512x512xf32>
    %add3A_18 = arith.addf %add3A, %add3A_17 : vector<512x512xf32>
    %gt3A = arith.constant 0.000000e+00 : f32
    %gt3A_19 = vector.broadcast %gt3A : f32 to vector<512x512xf32>
    %gt3A_20 = arith.cmpf ogt, %add3A_18, %gt3A_19 : vector<512x512xf32>
    %mul3A = arith.constant 2.000000e-01 : f32
    %mul3A_21 = vector.broadcast %mul3A : f32 to vector<512x512xf32>
    %mul3A_22 = arith.mulf %mul3A_21, %add3A_18 : vector<512x512xf32>
    %select_n3A = arith.select %gt3A_20, %add3A_18, %mul3A_22 : vector<512x512xi1>, vector<512x512xf32>
    %get3A_23 = arith.constant 0 : index
    %get3A_24 = arith.constant 0 : index
    %get3A_25 = vector.load %arg7[%get3A_23, %get3A_24] : memref<512x1xf32, #tpu.memory_space<vmem>>, vector<512x1xf32>
    %dot_general3A_26 = arith.constant dense<0.000000e+00> : vector<512x1xf32>
    %dot_general3A_27 = tpu.matmul %select_n3A, %get3A_25, %dot_general3A_26 {dimension_numbers = #tpu.dot_dimension_numbers<[1], [0], [0], [1], [0, 0, 1, 1], [], []>, transpose_lhs_hint = false} : vector<512x512xf32>, vector<512x1xf32>, vector<512x1xf32> -> vector<512x1xf32>
    %get3A_28 = arith.constant 0 : index
    %get3A_29 = arith.constant 0 : index
    %get3A_30 = vector.load %arg3[%get3A_28, %get3A_29] : memref<512x1xf32, #tpu.memory_space<vmem>>, vector<512x1xf32>
    %add3A_31 = arith.addf %dot_general3A_27, %get3A_30 : vector<512x1xf32>
    %swap3A = arith.constant 0 : index
    %swap3A_32 = arith.constant 0 : index
    %swap3A_33 = vector.load %arg8[%swap3A, %swap3A_32] : memref<512x1xf32, #tpu.memory_space<vmem>>, vector<512x1xf32>
    tpu.vector_store %arg8[%swap3A, %swap3A_32], %add3A_31 {strides = array<i32>} : memref<512x1xf32, #tpu.memory_space<vmem>>, vector<512x1xf32>,
    %eq3A = arith.constant 0 : i32
    %eq3A_34 = arith.cmpi eq, %arg0, %eq3A : i32
    %convert_element_type3A = arith.extui %eq3A_34 : i1 to i32
    %cond3A = arith.constant 0 : i32
    %cond3A_35 = arith.cmpi ne, %convert_element_type3A, %cond3A : i32
    scf.if %cond3A_35 {
      %broadcast_in_dim3A_46 = arith.constant -1.000000e+30 : f32
      %broadcast_in_dim3A_47 = vector.broadcast %broadcast_in_dim3A_46 : f32 to vector<1x1xf32>
      %swap3A_48 = arith.constant 0 : index
      %swap3A_49 = arith.constant 0 : index
      %swap3A_50 = vector.load %arg9[%swap3A_48, %swap3A_49] : memref<1x1xf32, #tpu.memory_space<vmem>>, vector<1x1xf32>
      tpu.vector_store %arg9[%swap3A_48, %swap3A_49], %broadcast_in_dim3A_47 {strides = array<i32>} : memref<1x1xf32, #tpu.memory_space<vmem>>, vector<1x1xf32>,
    } else {
    }
    %get3A_36 = arith.constant 0 : index
    %get3A_37 = arith.constant 0 : index
    %get3A_38 = vector.load %arg9[%get3A_36, %get3A_37] : memref<1x1xf32, #tpu.memory_space<vmem>>, vector<1x1xf32>
    %reduce_max3A = vector.shape_cast %add3A_31 : vector<512x1xf32> to vector<1x512x1xf32>
    %reduce_max3A_39 = arith.constant dense<0xFF800000> : vector<1xf32>
    %reduce_max3A_40 = vector.multi_reduction <maximumf>, %reduce_max3A, %reduce_max3A_39 [1, 2] : vector<1x512x1xf32> to vector<1xf32>
    %reduce_max3A_41 = vector.shape_cast %reduce_max3A_40 : vector<1xf32> to vector<1x1x1xf32>
    %reduce_max3A_42 = vector.extract %reduce_max3A_41[0, 0, 0] : f32 from vector<1x1x1xf32>
    %broadcast_in_dim3A = vector.broadcast %reduce_max3A_42 : f32 to vector<1x1xf32>
    %max3A = arith.maximumf %get3A_38, %broadcast_in_dim3A : vector<1x1xf32>
    %swap3A_43 = arith.constant 0 : index
    %swap3A_44 = arith.constant 0 : index
    %swap3A_45 = vector.load %arg9[%swap3A_43, %swap3A_44] : memref<1x1xf32, #tpu.memory_space<vmem>>, vector<1x1xf32>
    tpu.vector_store %arg9[%swap3A_43, %swap3A_44], %max3A {strides = array<i32>} : memref<1x1xf32, #tpu.memory_space<vmem>>, vector<1x1xf32>,
    return
  }
  func.func @transform_0(%arg0: i32) -> (i32, i32) {
    %c0_i32 = arith.constant 0 : i32
    %c0_i32_0 = arith.constant 0 : i32
    return %arg0, %c0_i32 : i32, i32
  }
  func.func @transform_1(%arg0: i32) -> (i32, i32) {
    %c0_i32 = arith.constant 0 : i32
    %c0_i32_0 = arith.constant 0 : i32
    return %arg0, %c0_i32 : i32, i32
  }
  func.func @transform_2(%arg0: i32) -> (i32, i32) {
    %c0_i32 = arith.constant 0 : i32
    %c0_i32_0 = arith.constant 0 : i32
    return %arg0, %c0_i32 : i32, i32
  }
  func.func @transform_3(%arg0: i32) -> (i32, i32) {
    %c0_i32 = arith.constant 0 : i32
    %c0_i32_0 = arith.constant 0 : i32
    %c0_i32_1 = arith.constant 0 : i32
    return %c0_i32, %c0_i32_0 : i32, i32
  }
  func.func @transform_4(%arg0: i32) -> (i32, i32) {
    %c0_i32 = arith.constant 0 : i32
    %c0_i32_0 = arith.constant 0 : i32
    %c0_i32_1 = arith.constant 0 : i32
    return %c0_i32, %c0_i32_0 : i32, i32
  }
  func.func @transform_5(%arg0: i32) -> (i32, i32) {
    %c0_i32 = arith.constant 0 : i32
    %c0_i32_0 = arith.constant 0 : i32
    %c0_i32_1 = arith.constant 0 : i32
    return %c0_i32, %c0_i32_0 : i32, i32
  }
  func.func @transform_6(%arg0: i32) -> (i32, i32) {
    %c0_i32 = arith.constant 0 : i32
    %c0_i32_0 = arith.constant 0 : i32
    %c0_i32_1 = arith.constant 0 : i32
    return %c0_i32, %c0_i32_0 : i32, i32
  }
  func.func @transform_7(%arg0: i32) -> (i32, i32) {
    %c0_i32 = arith.constant 0 : i32
    %c0_i32_0 = arith.constant 0 : i32
    return %arg0, %c0_i32 : i32, i32
  }
  func.func @transform_8(%arg0: i32) -> (i32, i32) {
    %c0_i32 = arith.constant 0 : i32
    %c0_i32_0 = arith.constant 0 : i32
    %c0_i32_1 = arith.constant 0 : i32
    return %c0_i32, %c0_i32_0 : i32, i32
  }
}

module attributes {stable_mosaic.version = 14 : i64} {
  func.func @_tc_weights(%arg0: i32, %arg1: memref<512x1xf32, #tpu.memory_space<vmem>>, %arg2: memref<1x1xf32, #tpu.memory_space<vmem>>, %arg3: memref<512x16xf32, #tpu.memory_space<vmem>>, %arg4: memref<512x16xf32, #tpu.memory_space<vmem>>) attributes {dimension_semantics = [#tpu.dimension_semantics<arbitrary>], iteration_bounds = array<i64: 800>, scalar_prefetch = 0 : i64, scratch_operands = 0 : i64, tpu.core_type = #tpu.core_type<tc>, window_params = [{transform_indices = @transform_0, window_bounds = array<i64: 512, 1>}, {pipeline_mode = #tpu.pipeline_mode<synchronous>, transform_indices = @transform_1, window_bounds = array<i64: 1, 1>}, {transform_indices = @transform_2, window_bounds = array<i64: 512, 16>}, {transform_indices = @transform_3, window_bounds = array<i64: 512, 16>}]} {
    %get3A = arith.constant 0 : index
    %get3A_0 = arith.constant 0 : index
    %get3A_1 = vector.load %arg1[%get3A, %get3A_0] : memref<512x1xf32, #tpu.memory_space<vmem>>, vector<512x1xf32>
    %get3A_2 = arith.constant 0 : index
    %get3A_3 = arith.constant 0 : index
    %get3A_4 = vector.load %arg2[%get3A_2, %get3A_3] : memref<1x1xf32, #tpu.memory_space<vmem>>, vector<1x1xf32>
    %sub3A = vector.broadcast %get3A_4 : vector<1x1xf32> to vector<512x1xf32>
    %sub3A_5 = arith.subf %get3A_1, %sub3A : vector<512x1xf32>
    %exp3A = math.exp %sub3A_5 : vector<512x1xf32>
    %get3A_6 = arith.constant 0 : index
    %get3A_7 = arith.constant 0 : index
    %get3A_8 = vector.load %arg3[%get3A_6, %get3A_7] : memref<512x16xf32, #tpu.memory_space<vmem>>, vector<512x16xf32>
    %slice3A = vector.extract_strided_slice %get3A_8 {offsets = [0, 0], sizes = [512, 4], strides = [1, 1]} : vector<512x16xf32> to vector<512x4xf32>
    %mul3A = vector.broadcast %exp3A : vector<512x1xf32> to vector<512x4xf32>
    %mul3A_9 = arith.mulf %slice3A, %mul3A : vector<512x4xf32>
    %broadcast_in_dim3A = arith.constant 0.000000e+00 : f32
    %broadcast_in_dim3A_10 = vector.broadcast %broadcast_in_dim3A : f32 to vector<512x11xf32>
    %concatenate3A = tpu.concatenate %mul3A_9, %exp3A, %broadcast_in_dim3A_10 in 1 : vector<512x4xf32>, vector<512x1xf32>, vector<512x11xf32> -> vector<512x16xf32>
    %swap3A = arith.constant 0 : index
    %swap3A_11 = arith.constant 0 : index
    %swap3A_12 = vector.load %arg4[%swap3A, %swap3A_11] : memref<512x16xf32, #tpu.memory_space<vmem>>, vector<512x16xf32>
    tpu.vector_store %arg4[%swap3A, %swap3A_11], %concatenate3A {strides = array<i32>} : memref<512x16xf32, #tpu.memory_space<vmem>>, vector<512x16xf32>,
    return
  }
  func.func @transform_0(%arg0: i32) -> (i32, i32) {
    %c0_i32 = arith.constant 0 : i32
    %c0_i32_0 = arith.constant 0 : i32
    return %arg0, %c0_i32 : i32, i32
  }
  func.func @transform_1(%arg0: i32) -> (i32, i32) {
    %c0_i32 = arith.constant 0 : i32
    %c0_i32_0 = arith.constant 0 : i32
    %c0_i32_1 = arith.constant 0 : i32
    return %c0_i32, %c0_i32_0 : i32, i32
  }
  func.func @transform_2(%arg0: i32) -> (i32, i32) {
    %c0_i32 = arith.constant 0 : i32
    %c0_i32_0 = arith.constant 0 : i32
    return %arg0, %c0_i32 : i32, i32
  }
  func.func @transform_3(%arg0: i32) -> (i32, i32) {
    %c0_i32 = arith.constant 0 : i32
    %c0_i32_0 = arith.constant 0 : i32
    return %arg0, %c0_i32 : i32, i32
  }
}

module attributes {stable_mosaic.version = 14 : i64} {
  func.func @_tc_final(%arg0: i32, %arg1: memref<2000x16xf32, #tpu.memory_space<vmem>>, %arg2: memref<2000x16xf32, #tpu.memory_space<vmem>>, %arg3: memref<2000x16xf32, #tpu.memory_space<vmem>>, %arg4: memref<2000x16xf32, #tpu.memory_space<vmem>>, %arg5: memref<4x512xf32, #tpu.memory_space<vmem>>, %arg6: memref<1x512xf32, #tpu.memory_space<vmem>>, %arg7: memref<512x512xf32, #tpu.memory_space<vmem>>, %arg8: memref<1x512xf32, #tpu.memory_space<vmem>>, %arg9: memref<512x1xf32, #tpu.memory_space<vmem>>, %arg10: memref<1x1x16xf32, #tpu.memory_space<vmem>>, %arg11: memref<16x512xf32, #tpu.memory_space<vmem>>, %arg12: memref<1x512xf32, #tpu.memory_space<vmem>>, %arg13: memref<1x512xf32, #tpu.memory_space<vmem>>, %arg14: memref<512x1xf32, #tpu.memory_space<vmem>>, %arg15: memref<1x1xf32, #tpu.memory_space<vmem>>, %arg16: memref<1x1x128xf32, #tpu.memory_space<vmem>>) attributes {dimension_semantics = [#tpu.dimension_semantics<arbitrary>], iteration_bounds = array<i64: 4>, scalar_prefetch = 0 : i64, scratch_operands = 0 : i64, tpu.core_type = #tpu.core_type<tc>, window_params = [{transform_indices = @transform_0, window_bounds = array<i64: 2000, 16>}, {transform_indices = @transform_1, window_bounds = array<i64: 2000, 16>}, {transform_indices = @transform_2, window_bounds = array<i64: 2000, 16>}, {transform_indices = @transform_3, window_bounds = array<i64: 2000, 16>}, {pipeline_mode = #tpu.pipeline_mode<synchronous>, transform_indices = @transform_4, window_bounds = array<i64: 4, 512>}, {pipeline_mode = #tpu.pipeline_mode<synchronous>, transform_indices = @transform_5, window_bounds = array<i64: 1, 512>}, {pipeline_mode = #tpu.pipeline_mode<synchronous>, transform_indices = @transform_6, window_bounds = array<i64: 512, 512>}, {pipeline_mode = #tpu.pipeline_mode<synchronous>, transform_indices = @transform_7, window_bounds = array<i64: 1, 512>}, {pipeline_mode = #tpu.pipeline_mode<synchronous>, transform_indices = @transform_8, window_bounds = array<i64: 512, 1>}, {transform_indices = @transform_9, window_bounds = array<i64: 1, 1, 16>}, {pipeline_mode = #tpu.pipeline_mode<synchronous>, transform_indices = @transform_10, window_bounds = array<i64: 16, 512>}, {pipeline_mode = #tpu.pipeline_mode<synchronous>, transform_indices = @transform_11, window_bounds = array<i64: 1, 512>}, {pipeline_mode = #tpu.pipeline_mode<synchronous>, transform_indices = @transform_12, window_bounds = array<i64: 1, 512>}, {pipeline_mode = #tpu.pipeline_mode<synchronous>, transform_indices = @transform_13, window_bounds = array<i64: 512, 1>}, {pipeline_mode = #tpu.pipeline_mode<synchronous>, transform_indices = @transform_14, window_bounds = array<i64: 1, 1>}, {transform_indices = @transform_15, window_bounds = array<i64: 1, 1, 128>}]} {
    %get3A = arith.constant 0 : index
    %get3A_0 = arith.constant 0 : index
    %get3A_1 = vector.load %arg1[%get3A, %get3A_0] : memref<2000x16xf32, #tpu.memory_space<vmem>>, vector<2000x16xf32>
    %get3A_2 = arith.constant 0 : index
    %get3A_3 = arith.constant 0 : index
    %get3A_4 = vector.load %arg2[%get3A_2, %get3A_3] : memref<2000x16xf32, #tpu.memory_space<vmem>>, vector<2000x16xf32>
    %add3A = arith.addf %get3A_1, %get3A_4 : vector<2000x16xf32>
    %slice3A = vector.extract_strided_slice %add3A {offsets = [0, 0], sizes = [2000, 4], strides = [1, 1]} : vector<2000x16xf32> to vector<2000x4xf32>
    %slice3A_5 = vector.extract_strided_slice %add3A {offsets = [0, 4], sizes = [2000, 1], strides = [1, 1]} : vector<2000x16xf32> to vector<2000x1xf32>
    %div3A = vector.broadcast %slice3A_5 : vector<2000x1xf32> to vector<2000x4xf32>
    %div3A_6 = arith.divf %slice3A, %div3A : vector<2000x4xf32>
    %get3A_7 = arith.constant 0 : index
    %get3A_8 = arith.constant 0 : index
    %get3A_9 = vector.load %arg5[%get3A_7, %get3A_8] : memref<4x512xf32, #tpu.memory_space<vmem>>, vector<4x512xf32>
    %dot_general3A = arith.constant dense<0.000000e+00> : vector<2000x512xf32>
    %dot_general3A_10 = tpu.matmul %div3A_6, %get3A_9, %dot_general3A {dimension_numbers = #tpu.dot_dimension_numbers<[1], [0], [0], [1], [0, 0, 1, 1], [], []>, transpose_lhs_hint = false} : vector<2000x4xf32>, vector<4x512xf32>, vector<2000x512xf32> -> vector<2000x512xf32>
    %get3A_11 = arith.constant 0 : index
    %get3A_12 = arith.constant 0 : index
    %get3A_13 = vector.load %arg6[%get3A_11, %get3A_12] : memref<1x512xf32, #tpu.memory_space<vmem>>, vector<1x512xf32>
    %add3A_14 = vector.broadcast %get3A_13 : vector<1x512xf32> to vector<2000x512xf32>
    %add3A_15 = arith.addf %dot_general3A_10, %add3A_14 : vector<2000x512xf32>
    %max3A = arith.constant 0.000000e+00 : f32
    %max3A_16 = vector.broadcast %max3A : f32 to vector<2000x512xf32>
    %max3A_17 = arith.maximumf %add3A_15, %max3A_16 : vector<2000x512xf32>
    %get3A_18 = arith.constant 0 : index
    %get3A_19 = arith.constant 0 : index
    %get3A_20 = vector.load %arg3[%get3A_18, %get3A_19] : memref<2000x16xf32, #tpu.memory_space<vmem>>, vector<2000x16xf32>
    %slice3A_21 = vector.extract_strided_slice %get3A_20 {offsets = [0, 4], sizes = [2000, 1], strides = [1, 1]} : vector<2000x16xf32> to vector<2000x1xf32>
    %get3A_22 = arith.constant 0 : index
    %get3A_23 = arith.constant 0 : index
    %get3A_24 = vector.load %arg4[%get3A_22, %get3A_23] : memref<2000x16xf32, #tpu.memory_space<vmem>>, vector<2000x16xf32>
    %slice3A_25 = vector.extract_strided_slice %get3A_24 {offsets = [0, 4], sizes = [2000, 1], strides = [1, 1]} : vector<2000x16xf32> to vector<2000x1xf32>
    %add3A_26 = arith.addf %slice3A_21, %slice3A_25 : vector<2000x1xf32>
    %get3A_27 = arith.constant 0 : index
    %get3A_28 = arith.constant 0 : index
    %get3A_29 = vector.load %arg7[%get3A_27, %get3A_28] : memref<512x512xf32, #tpu.memory_space<vmem>>, vector<512x512xf32>
    %dot_general3A_30 = arith.constant dense<0.000000e+00> : vector<2000x512xf32>
    %dot_general3A_31 = tpu.matmul %max3A_17, %get3A_29, %dot_general3A_30 {dimension_numbers = #tpu.dot_dimension_numbers<[1], [0], [0], [1], [0, 0, 1, 1], [], []>, transpose_lhs_hint = false} : vector<2000x512xf32>, vector<512x512xf32>, vector<2000x512xf32> -> vector<2000x512xf32>
    %get3A_32 = arith.constant 0 : index
    %get3A_33 = arith.constant 0 : index
    %get3A_34 = vector.load %arg8[%get3A_32, %get3A_33] : memref<1x512xf32, #tpu.memory_space<vmem>>, vector<1x512xf32>
    %add3A_35 = vector.broadcast %get3A_34 : vector<1x512xf32> to vector<2000x512xf32>
    %add3A_36 = arith.addf %dot_general3A_31, %add3A_35 : vector<2000x512xf32>
    %get3A_37 = arith.constant 0 : index
    %get3A_38 = arith.constant 0 : index
    %get3A_39 = arith.constant 0 : index
    %get3A_40 = vector.load %arg10[%get3A_37, %get3A_38, %get3A_39] : memref<1x1x16xf32, #tpu.memory_space<vmem>>, vector<1x1x16xf32>
    %reshape3A = vector.shape_cast %get3A_40 : vector<1x1x16xf32> to vector<1x16xf32>
    %get3A_41 = arith.constant 0 : index
    %get3A_42 = arith.constant 0 : index
    %get3A_43 = vector.load %arg11[%get3A_41, %get3A_42] : memref<16x512xf32, #tpu.memory_space<vmem>>, vector<16x512xf32>
    %dot_general3A_44 = arith.constant dense<0.000000e+00> : vector<1x512xf32>
    %dot_general3A_45 = tpu.matmul %reshape3A, %get3A_43, %dot_general3A_44 {dimension_numbers = #tpu.dot_dimension_numbers<[1], [0], [0], [1], [0, 0, 1, 1], [], []>, transpose_lhs_hint = false} : vector<1x16xf32>, vector<16x512xf32>, vector<1x512xf32> -> vector<1x512xf32>
    %get3A_46 = arith.constant 0 : index
    %get3A_47 = arith.constant 0 : index
    %get3A_48 = vector.load %arg12[%get3A_46, %get3A_47] : memref<1x512xf32, #tpu.memory_space<vmem>>, vector<1x512xf32>
    %add3A_49 = arith.addf %dot_general3A_45, %get3A_48 : vector<1x512xf32>
    %add3A_50 = vector.broadcast %add3A_49 : vector<1x512xf32> to vector<2000x512xf32>
    %add3A_51 = arith.addf %add3A_36, %add3A_50 : vector<2000x512xf32>
    %gt3A = arith.constant 0.000000e+00 : f32
    %gt3A_52 = vector.broadcast %gt3A : f32 to vector<2000x512xf32>
    %gt3A_53 = arith.cmpf ogt, %add3A_51, %gt3A_52 : vector<2000x512xf32>
    %mul3A = arith.constant 2.000000e-01 : f32
    %mul3A_54 = vector.broadcast %mul3A : f32 to vector<2000x512xf32>
    %mul3A_55 = arith.mulf %mul3A_54, %add3A_51 : vector<2000x512xf32>
    %select_n3A = arith.select %gt3A_53, %add3A_51, %mul3A_55 : vector<2000x512xi1>, vector<2000x512xf32>
    %get3A_56 = arith.constant 0 : index
    %get3A_57 = arith.constant 0 : index
    %get3A_58 = vector.load %arg9[%get3A_56, %get3A_57] : memref<512x1xf32, #tpu.memory_space<vmem>>, vector<512x1xf32>
    %dot_general3A_59 = arith.constant dense<0.000000e+00> : vector<2000x1xf32>
    %dot_general3A_60 = tpu.matmul %select_n3A, %get3A_58, %dot_general3A_59 {dimension_numbers = #tpu.dot_dimension_numbers<[1], [0], [0], [1], [0, 0, 1, 1], [], []>, transpose_lhs_hint = false} : vector<2000x512xf32>, vector<512x1xf32>, vector<2000x1xf32> -> vector<2000x1xf32>
    %gt3A_61 = arith.constant 0.000000e+00 : f32
    %gt3A_62 = vector.broadcast %gt3A_61 : f32 to vector<2000x1xf32>
    %gt3A_63 = arith.cmpf ogt, %add3A_26, %gt3A_62 : vector<2000x1xf32>
    %jit3A = arith.constant -1.000000e+30 : f32
    %broadcast_in_dim3A = vector.broadcast %jit3A : f32 to vector<2000x1xf32>
    %select_n3A_64 = arith.select %gt3A_63, %dot_general3A_60, %broadcast_in_dim3A : vector<2000x1xi1>, vector<2000x1xf32>
    %reduce_max3A = vector.shape_cast %select_n3A_64 : vector<2000x1xf32> to vector<1x2000x1xf32>
    %reduce_max3A_65 = arith.constant dense<0xFF800000> : vector<1xf32>
    %reduce_max3A_66 = vector.multi_reduction <maximumf>, %reduce_max3A, %reduce_max3A_65 [1, 2] : vector<1x2000x1xf32> to vector<1xf32>
    %reduce_max3A_67 = vector.shape_cast %reduce_max3A_66 : vector<1xf32> to vector<1x1x1xf32>
    %reduce_max3A_68 = vector.extract %reduce_max3A_67[0, 0, 0] : f32 from vector<1x1x1xf32>
    %sub3A = vector.broadcast %reduce_max3A_68 : f32 to vector<2000x1xf32>
    %sub3A_69 = arith.subf %dot_general3A_60, %sub3A : vector<2000x1xf32>
    %exp3A = math.exp %sub3A_69 : vector<2000x1xf32>
    %mul3A_70 = arith.mulf %add3A_26, %exp3A : vector<2000x1xf32>
    %jit3A_71 = arith.constant 0.000000e+00 : f32
    %broadcast_in_dim3A_72 = vector.broadcast %jit3A_71 : f32 to vector<2000x1xf32>
    %select_n3A_73 = arith.select %gt3A_63, %mul3A_70, %broadcast_in_dim3A_72 : vector<2000x1xi1>, vector<2000x1xf32>
    %reduce_sum3A = vector.shape_cast %select_n3A_73 : vector<2000x1xf32> to vector<1x2000x1xf32>
    %reduce_sum3A_74 = arith.constant dense<0.000000e+00> : vector<1xf32>
    %reduce_sum3A_75 = vector.multi_reduction <add>, %reduce_sum3A, %reduce_sum3A_74 [1, 2] : vector<1x2000x1xf32> to vector<1xf32>
    %reduce_sum3A_76 = vector.shape_cast %reduce_sum3A_75 : vector<1xf32> to vector<1x1x1xf32>
    %reduce_sum3A_77 = vector.extract %reduce_sum3A_76[0, 0, 0] : f32 from vector<1x1x1xf32>
    %dot_general3A_78 = arith.constant dense<0.000000e+00> : vector<1x512xf32>
    %dot_general3A_79 = tpu.matmul %select_n3A_73, %add3A_36, %dot_general3A_78 {dimension_numbers = #tpu.dot_dimension_numbers<[0], [0], [1], [1], [0, 1, 1, 1], [], []>, transpose_lhs_hint = false} : vector<2000x1xf32>, vector<2000x512xf32>, vector<1x512xf32> -> vector<1x512xf32>
    %div3A_80 = vector.broadcast %reduce_sum3A_77 : f32 to vector<1x512xf32>
    %div3A_81 = arith.divf %dot_general3A_79, %div3A_80 : vector<1x512xf32>
    %get3A_82 = arith.constant 0 : index
    %get3A_83 = arith.constant 0 : index
    %get3A_84 = vector.load %arg13[%get3A_82, %get3A_83] : memref<1x512xf32, #tpu.memory_space<vmem>>, vector<1x512xf32>
    %add3A_85 = arith.addf %div3A_81, %get3A_84 : vector<1x512xf32>
    %max3A_86 = arith.constant 0.000000e+00 : f32
    %max3A_87 = vector.broadcast %max3A_86 : f32 to vector<1x512xf32>
    %max3A_88 = arith.maximumf %add3A_85, %max3A_87 : vector<1x512xf32>
    %get3A_89 = arith.constant 0 : index
    %get3A_90 = arith.constant 0 : index
    %get3A_91 = vector.load %arg14[%get3A_89, %get3A_90] : memref<512x1xf32, #tpu.memory_space<vmem>>, vector<512x1xf32>
    %dot_general3A_92 = arith.constant dense<0.000000e+00> : vector<1x1xf32>
    %dot_general3A_93 = tpu.matmul %max3A_88, %get3A_91, %dot_general3A_92 {dimension_numbers = #tpu.dot_dimension_numbers<[1], [0], [0], [1], [0, 0, 1, 1], [], []>, transpose_lhs_hint = false} : vector<1x512xf32>, vector<512x1xf32>, vector<1x1xf32> -> vector<1x1xf32>
    %get3A_94 = arith.constant 0 : index
    %get3A_95 = arith.constant 0 : index
    %get3A_96 = vector.load %arg15[%get3A_94, %get3A_95] : memref<1x1xf32, #tpu.memory_space<vmem>>, vector<1x1xf32>
    %add3A_97 = arith.addf %dot_general3A_93, %get3A_96 : vector<1x1xf32>
    %reshape3A_98 = vector.shape_cast %add3A_97 : vector<1x1xf32> to vector<1x1x1xf32>
    %broadcast_in_dim3A_99 = vector.shape_cast %reshape3A_98 : vector<1x1x1xf32> to vector<1x1x1xf32>
    %broadcast_in_dim3A_100 = vector.broadcast %broadcast_in_dim3A_99 : vector<1x1x1xf32> to vector<1x1x128xf32>
    %swap3A = arith.constant 0 : index
    %swap3A_101 = arith.constant 0 : index
    %swap3A_102 = arith.constant 0 : index
    %swap3A_103 = vector.load %arg16[%swap3A, %swap3A_101, %swap3A_102] : memref<1x1x128xf32, #tpu.memory_space<vmem>>, vector<1x1x128xf32>
    tpu.vector_store %arg16[%swap3A, %swap3A_101, %swap3A_102], %broadcast_in_dim3A_100 {strides = array<i32>} : memref<1x1x128xf32, #tpu.memory_space<vmem>>, vector<1x1x128xf32>,
    return
  }
  func.func @transform_0(%arg0: i32) -> (i32, i32) {
    %c0_i32 = arith.constant 0 : i32
    %c0_i32_0 = arith.constant 0 : i32
    return %arg0, %c0_i32 : i32, i32
  }
  func.func @transform_1(%arg0: i32) -> (i32, i32) {
    %add3A = arith.constant 8 : i32
    %add3A_0 = arith.addi %add3A, %arg0 : i32
    %c0_i32 = arith.constant 0 : i32
    %c0_i32_1 = arith.constant 0 : i32
    return %add3A_0, %c0_i32 : i32, i32
  }
  func.func @transform_2(%arg0: i32) -> (i32, i32) {
    %add3A = arith.constant 4 : i32
    %add3A_0 = arith.addi %add3A, %arg0 : i32
    %c0_i32 = arith.constant 0 : i32
    %c0_i32_1 = arith.constant 0 : i32
    return %add3A_0, %c0_i32 : i32, i32
  }
  func.func @transform_3(%arg0: i32) -> (i32, i32) {
    %add3A = arith.constant 12 : i32
    %add3A_0 = arith.addi %add3A, %arg0 : i32
    %c0_i32 = arith.constant 0 : i32
    %c0_i32_1 = arith.constant 0 : i32
    return %add3A_0, %c0_i32 : i32, i32
  }
  func.func @transform_4(%arg0: i32) -> (i32, i32) {
    %c0_i32 = arith.constant 0 : i32
    %c0_i32_0 = arith.constant 0 : i32
    %c0_i32_1 = arith.constant 0 : i32
    return %c0_i32, %c0_i32_0 : i32, i32
  }
  func.func @transform_5(%arg0: i32) -> (i32, i32) {
    %c0_i32 = arith.constant 0 : i32
    %c0_i32_0 = arith.constant 0 : i32
    %c0_i32_1 = arith.constant 0 : i32
    return %c0_i32, %c0_i32_0 : i32, i32
  }
  func.func @transform_6(%arg0: i32) -> (i32, i32) {
    %c0_i32 = arith.constant 0 : i32
    %c0_i32_0 = arith.constant 0 : i32
    %c0_i32_1 = arith.constant 0 : i32
    return %c0_i32, %c0_i32_0 : i32, i32
  }
  func.func @transform_7(%arg0: i32) -> (i32, i32) {
    %c0_i32 = arith.constant 0 : i32
    %c0_i32_0 = arith.constant 0 : i32
    %c0_i32_1 = arith.constant 0 : i32
    return %c0_i32, %c0_i32_0 : i32, i32
  }
  func.func @transform_8(%arg0: i32) -> (i32, i32) {
    %c0_i32 = arith.constant 0 : i32
    %c0_i32_0 = arith.constant 0 : i32
    %c0_i32_1 = arith.constant 0 : i32
    return %c0_i32, %c0_i32_0 : i32, i32
  }
  func.func @transform_9(%arg0: i32) -> (i32, i32, i32) {
    %c0_i32 = arith.constant 0 : i32
    %c0_i32_0 = arith.constant 0 : i32
    %c0_i32_1 = arith.constant 0 : i32
    return %arg0, %c0_i32, %c0_i32_0 : i32, i32, i32
  }
  func.func @transform_10(%arg0: i32) -> (i32, i32) {
    %c0_i32 = arith.constant 0 : i32
    %c0_i32_0 = arith.constant 0 : i32
    %c0_i32_1 = arith.constant 0 : i32
    return %c0_i32, %c0_i32_0 : i32, i32
  }
  func.func @transform_11(%arg0: i32) -> (i32, i32) {
    %c0_i32 = arith.constant 0 : i32
    %c0_i32_0 = arith.constant 0 : i32
    %c0_i32_1 = arith.constant 0 : i32
    return %c0_i32, %c0_i32_0 : i32, i32
  }
  func.func @transform_12(%arg0: i32) -> (i32, i32) {
    %c0_i32 = arith.constant 0 : i32
    %c0_i32_0 = arith.constant 0 : i32
    %c0_i32_1 = arith.constant 0 : i32
    return %c0_i32, %c0_i32_0 : i32, i32
  }
  func.func @transform_13(%arg0: i32) -> (i32, i32) {
    %c0_i32 = arith.constant 0 : i32
    %c0_i32_0 = arith.constant 0 : i32
    %c0_i32_1 = arith.constant 0 : i32
    return %c0_i32, %c0_i32_0 : i32, i32
  }
  func.func @transform_14(%arg0: i32) -> (i32, i32) {
    %c0_i32 = arith.constant 0 : i32
    %c0_i32_0 = arith.constant 0 : i32
    %c0_i32_1 = arith.constant 0 : i32
    return %c0_i32, %c0_i32_0 : i32, i32
  }
  func.func @transform_15(%arg0: i32) -> (i32, i32, i32) {
    %c0_i32 = arith.constant 0 : i32
    %c0_i32_0 = arith.constant 0 : i32
    %c0_i32_1 = arith.constant 0 : i32
    return %arg0, %c0_i32, %c0_i32_0 : i32, i32, i32
  }
}

</mosaic_0001>

<sc_bundles>
// kernel: kernel.10.cloned.1.call-start
scs
__scs_entry_jumppad:
0x0: {  	(pc) =	sbr.rel $0x88, $3  }
0x1: {  	(tag) =	ssettag $0x0;
	lr =	simm.s32 $0x1  }
0x2: {  	[smem:$0x3F8C] =	sst lr;
	_ =	strace $0xD0000000  }
0x3: {  	_ = 	snop  }
0x4: {  	_ = 	snop  }
0x5: {  	_ = 	snop  }
0x6: {  	_ = 	snop  }
0x7: {  	_ = 	snop  }
__scs_overlays_trampoline_lowered:
0x8: {  	[smem:$0x3F9B] =	sst s0  }
0x9: {  	[smem:$0x3F9C] =	sst s1  }
0xa: {  	[smem:$0x3F9D] =	sst s2  }
0xb: {  	[smem:$0x3F9E] =	sst s3  }
0xc: {  	[smem:$0x3F9F] =	sst s4  }
0xd: {  	[smem:$0x3FA0] =	sst s5  }
0xe: {  	[smem:$0x3FA1] =	sst s6  }
0xf: {  	[smem:$0x3FA2] =	sst s7  }
0x10: {  	[smem:$0x3FA3] =	sst s8  }
0x11: {  	[smem:$0x3FA4] =	sst s9;
	s0 =	simm.s32 @!p0 $0x0  }
0x12: {  	s1 =	sld [smem:$0x3F8A];
	s0 =	simm.s32 @p0 $0x1  }
0x13: {  	[smem:$0x3FA5] =	sst s0;
	s0 =	simm.s32 @!p1 $0x0  }
0x14: {  	s2 =	sld [smem:$0x3F89];
	s0 =	simm.s32 @p1 $0x1  }
0x15: {  	[smem:$0x3FA6] =	sst s0;
	s0 =	simm.s32 @!p2 $0x0  }
0x16: {  	s3 =	sld [smem:$0x3FDB];
	s0 =	simm.s32 @p2 $0x1  }
0x17: {  	s4 =	simm.s32 $0x1BF5;
	[smem:$0x3FA8] =	sst s0  }
0x18: {  	s0 =	sld [smem:$0x3F8B];
	_ =	swait.ge [sflag:s4], $0x0  }
0x19: {  	s7 =	sld [smem:$0x3F8C]  }
0x1a: {  	s8 =	sadd.s32 $0xFFFFE003, lr  }
0x1b: {  	s9 =	sadd.s32 $0xFFFFFEF7, lr;
	s5 =	simm.s32 $0xFFFFFFFF;
	p2 =	slt.u32 s8, $0xFFFFF086  }
0x1c: {  	p1 =	slt.u32 s9, $0xF7A;
	s5 =	simm.s32 @!p2 $0x0  }
0x1d: {  	s5 =	simm.s32 @p1 $0x1;
	p0 =	seq.s32 s7, s2  }
0x1e: {  	s7 =	smul.u32 @!p0 $0xF7A, s2;
	p2 =	seq.s32 @!p0 s5, $0x0  }
0x1f: {  	s9 =	smul.u32 $0xF7A, s1;
	s8 =	simm.s32 @!p0 $0x1BF5;
	p2 =	por !p2, p0  }
0x20: {  	[sflag:s8] =	ssyncset.s32 @!p0 $0xFFFFF086;
	s6 =	sadd.s32 @!p0 s3, s7;
	s7 =	simm.s32 @!p0 $0x108  }
0x21: {  	s3 =	sadd.s32 s3, s9;
	s6 =	sadd.s32 @!p0 $0x88, s6;
	s7 =	simm.s32 @p2 $0x1082  }
0x22: {  	[simem:s7], [sflag:s8] =	dma.local @!p0 [hbm:s6], $0xF7A  }
0x23: {  	s9 =	sor.u32 $0xD0000000, s2;
	s6 =	simm.s32 $0x108;
	_ =	swait.ge @!p0 [sflag:s8], $0x0  }
0x24: {  	s3 =	sadd.s32 $0x88, s3;
	s6 =	simm.s32 @!p1 $0x1082;
	[sflag:s4] =	ssyncset.s32 $0xFFFFF086  }
0x25: {  	[simem:s6], [sflag:s4] =	dma.local [hbm:s3], $0xF7A  }
0x26: {  	[smem:$0x3F8C] =	sst s1;
	(tag) =	ssettag s2;
	_ =	strace s9  }
0x27: {  	s1 =	sld [smem:$0x3F9C]  }
0x28: {  	s2 =	sld [smem:$0x3F9D]  }
0x29: {  	s4 =	sld [smem:$0x3F9F]  }
0x2a: {  	p0 =	seq.s32 s5, $0x0;
	s5 =	sld [smem:$0x3FA0]  }
0x2b: {  	s6 =	sld [smem:$0x3FA1]  }
0x2c: {  	s7 =	sld [smem:$0x3FA2]  }
0x2d: {  	s3 =	simm.s32 $0x108;
	s8 =	sld [smem:$0x3FA3]  }
0x2e: {  	s3 =	simm.s32 @!p0 $0x1082;
	s9 =	sld [smem:$0x3FA4]  }
0x2f: {  	lr =	sadd.s32 s0, s3;
	s0 =	sld [smem:$0x3F9B]  }
0x30: {  	s3 =	sld [smem:$0x3F9E]  }
0x31: {  	[smem:$0x3FA7] =	sst s10  }
0x32: {  	s10 =	sld [smem:$0x3FA5];
	_ =	sdelay $0x3  }
0x33: {  	p0 =	seq.s32 s10, $0x1;
	s10 =	sld [smem:$0x3FA7];
	_ =	sdelay $0x3  }
0x34: {  	[smem:$0x3FA7] =	sst s10  }
0x35: {  	s10 =	sld [smem:$0x3FA6];
	_ =	sdelay $0x3  }
0x36: {  	p1 =	seq.s32 s10, $0x1;
	s10 =	sld [smem:$0x3FA7];
	_ =	sdelay $0x3  }
0x37: {  	[smem:$0x3FA7] =	sst s10  }
0x38: {  	s10 =	sld [smem:$0x3FA8]  }
0x39: {  	_ = 	snop;
	(pc) =	sbr.ind lr, $3  }
0x3a: {  	_ = 	snop  }
0x3b: {  	_ = 	snop  }
0x3c: {  	p2 =	seq.s32 s10, $0x1;
	s10 =	sld [smem:$0x3FA7]  }
0x3d: {  	_ =	shalt  }
0x3e: {  	_ =	shalt  }
0x3f: {  	_ =	shalt  }
0x40: {  	_ =	shalt  }
0x41: {  	_ =	shalt  }
0x42: {  	_ =	shalt  }
0x43: {  	_ =	shalt  }
0x44: {  	_ =	shalt  }
0x45: {  	_ =	shalt  }
0x46: {  	_ =	shalt  }
0x47: {  	_ =	shalt  }
0x48: {  	_ =	shalt  }
0x49: {  	_ =	shalt  }
0x4a: {  	_ =	shalt  }
0x4b: {  	_ =	shalt  }
0x4c: {  	_ =	shalt  }
0x4d: {  	_ =	shalt  }
0x4e: {  	_ =	shalt  }
0x4f: {  	_ =	shalt  }
0x50: {  	_ =	shalt  }
0x51: {  	_ =	shalt  }
0x52: {  	_ =	shalt  }
0x53: {  	_ =	shalt  }
0x54: {  	_ =	shalt  }
0x55: {  	_ =	shalt  }
0x56: {  	_ =	shalt  }
0x57: {  	_ =	shalt  }
0x58: {  	_ =	shalt  }
0x59: {  	_ =	shalt  }
0x5a: {  	_ =	shalt  }
0x5b: {  	_ =	shalt  }
0x5c: {  	_ =	shalt  }
0x5d: {  	_ =	shalt  }
0x5e: {  	_ =	shalt  }
0x5f: {  	_ =	shalt  }
0x60: {  	_ =	shalt  }
0x61: {  	_ =	shalt  }
0x62: {  	_ =	shalt  }
0x63: {  	_ =	shalt  }
0x64: {  	_ =	shalt  }
0x65: {  	_ =	shalt  }
0x66: {  	_ =	shalt  }
0x67: {  	_ =	shalt  }
0x68: {  	_ =	shalt  }
0x69: {  	_ =	shalt  }
0x6a: {  	_ =	shalt  }
0x6b: {  	_ =	shalt  }
0x6c: {  	_ =	shalt  }
0x6d: {  	_ =	shalt  }
0x6e: {  	_ =	shalt  }
0x6f: {  	_ =	shalt  }
0x70: {  	_ =	shalt  }
0x71: {  	_ =	shalt  }
0x72: {  	_ =	shalt  }
0x73: {  	_ =	shalt  }
0x74: {  	_ =	shalt  }
0x75: {  	_ =	shalt  }
0x76: {  	_ =	shalt  }
0x77: {  	_ =	shalt  }
0x78: {  	_ =	shalt  }
0x79: {  	_ =	shalt  }
0x7a: {  	_ =	shalt  }
0x7b: {  	_ =	shalt  }
0x7c: {  	_ =	shalt  }
0x7d: {  	_ =	shalt  }
0x7e: {  	_ =	shalt  }
0x7f: {  	_ =	shalt  }
0x80: {  	_ =	shalt  }
0x81: {  	_ =	shalt  }
0x82: {  	_ =	shalt  }
0x83: {  	_ =	shalt  }
0x84: {  	_ =	shalt  }
0x85: {  	_ =	shalt  }
0x86: {  	_ =	shalt  }
0x87: {  	_ =	shalt  }
.Lfunc_end0:
.L_simem_size_0:
called_computation.1_lowered:
.L_overlay_start_0:
0x88: {  	s2 =	sld [smem:$0x3FD9]  }
0x89: {  	s3 =	sld [smem:$0x3FFE];
	_ =	sdelay $0x1  }
0x8a: {  	s1 =	srdreg.scid  }
0x8b: {  	s0 =	sand.u32 $0x1, s1  }
0x8c: {  	s16 =	sshll.u32 s0, $0xA;
	s2 =	sadd.s32 s3, s2  }
0x8d: {  	s2 =	sadd.s32 s2, s16  }
0x8e: {  	[smem:$0x3FB3] =	sst s2  }
0x8f: {  	_ = 	snop  }
0x90: {  	(tm) =	ssettm $0x1  }
0x91: {  	s17 =	sld [smem:$0x3FFB];
	_ =	sdelay $0x3  }
0x92: {  	_ =	strace s17  }
0x93: {  	s2 =	sld [smem:$0x3FFC];
	_ =	sdelay $0x3  }
0x94: {  	_ =	strace s2  }
0x95: {  	s2 =	sld [smem:$0x3FFD];
	_ =	sdelay $0x3  }
0x96: {  	_ =	strace s2  }
0x97: {  	_ =	strace $0x8FFFFFFF  }
0x98: {  	s18 =	sld [smem:$0x3FDB];
	_ =	sdelay $0x1  }
0x99: {  	s19 =	simm.s32 $_scs_section_size  }
0x9a: {  	s4 =	simm.s32 $_size__tile_overlayer_lowered;
	s5 =	simm.s32 $_tile_overlayer_lowered  }
0x9b: {  	s22 =	simm.s32 $0x1BFF;
	s21 =	sshll.u32 s5, $0x1;
	s2 =	sadd.s32 s19, s18  }
0x9c: {  	s6 =	simm.s32 $0x0;
	s20 =	sshll.u32 s4, $0x1;
	s4 =	sadd.s32 s21, s2  }
0x9d: {  	[timem:s6], [sflag:s22] =	dma.local [hbm:s4], s20  }
0x9e: {  	_ =	swait.ge [sflag:s22], s20  }
0x9f: {  	s3 =	ssub.s32 $0x0, s20;
	[sflag:s22] =	ssyncset.done $0x0  }
0xa0: {  	[sflag:s22] =	ssyncadd.s32 s3;
	_ =	sdelay $0x1  }
0xa1: {  	s23 =	simm.s32 $0x1B8B  }
0xa2: {  	_ =	swait.ge [sflag:s23], $0x1  }
0xa3: {  	[sflag:s23] =	ssyncset.done $0x0  }
0xa4: {  	s25 =	simm.s32 $0x1B8E;
	s24 =	sld [smem:$0x3FFE];
	[sflag:s23] =	ssyncadd.s32 $0xFFFFFFFF  }
0xa5: {  	s26 =	simm.s32 $execute0_lowered;
	[smem:$0x3FD2] =	sst s25  }
0xa6: {  	s4 =	sshll.u32 s26, $0x1;
	_ =	strace $0x80000049;
	[dreg:$0x1] =	wrdreg $0xFFFFFFFF  }
0xa7: {  	s28 =	simm.s32 $_size_execute0_lowered;
	s2 =	sadd.s32 s2, s4;
	[dreg:$0x0] =	wrdreg $0x0  }
0xa8: {  	s4 =	sshll.u32 s28, $0x1;
	[dreg:$0x2] =	wrdreg s2  }
0xa9: {  	[dreg:$0x3] =	wrdreg s4  }
0xaa: {  	[dreg:$0x4] =	wrdreg $0xC0  }
0xab: {  	_ =	task [dreg:s6], $0x5FFFF  }
0xac: {  	[dreg:$0x1] =	wrdreg $0xFFFFFFFF  }
0xad: {  	[dreg:$0x0] =	wrdreg $0x60  }
0xae: {  	[dreg:$0x2] =	wrdreg s24  }
0xaf: {  	[dreg:$0x3] =	wrdreg $0x8800  }
0xb0: {  	[dreg:$0x4] =	wrdreg $0x9  }
0xb1: {  	_ =	task.clear_ibuf [dreg:s6], $0x5FFFF;
	_ =	strace $0x90000049  }
0xb2: {  	s29 =	simm.s32 $0x9;
	_ =	strace $0x8000004B  }
0xb3: {  	_ =	swait.ge [sflag:s29], $0x1  }
0xb4: {  	[sflag:s29] =	ssyncadd.s32 $0xFFFFFFFF  }
0xb5: {  	_ =	strace $0x9000004B  }
0xb6: {  	_ =	sfence  }
0xb7: {  	s30 =	sld [smem:$0x0];
	_ =	sdelay $0x2  }
0xb8: {  	s31 =	sshll.u32 s1, $0xD;
	s1 =	sshrl.u32 s1, $0x2  }
0xb9: {  	s3 =	sand.u32 $0x4000, s31;
	s1 =	sadd.s32 s1, s30  }
0xba: {  	s0 =	sor.u32 s3, s0;
	s1 =	sshll.u32 s1, $0x11  }
0xbb: {  	s0 =	sor.u32 s1, s0  }
0xbc: {  	s0 =	sadd.s32 $0x8F2B, s0  }
0xbd: {  	[sflag:s0] =	ssyncadd.remote.s32 $0x1  }
0xbe: {  	_ =	sfence.sel $0xFFFF  }
0xbf: {  	[dreg:$0x0] =	wrdreg $0xFFFFFFFF;
	(pc) =	sbr.abs _section_cstart, $3  }
0xc0: {  	[dreg:$0x1] =	wrdreg $0xFFFFFFFF  }
0xc1: {  	_ =	task.clear_ibuf [dreg:s6], $0x2FFFF;
	_ =	strace $0x9FFFFFFF  }
0xc2: {  	(tm) =	ssettm $0x7FFFFFFF  }
0xc3: {  	_ =	shalt  }
tec
execute0_lowered:
.L_overlay_start_1:
0x0: {  	(tag) =	ssettag $0x1  }
0x1: {  	s0 =	stileid.u32;
	s1 =	srdreg.scid  }
0x2: {  	s4 =	rddreg [dreg:$0x0];
	s5 =	smul.u32 $0x6400, s0  }
0x3: {  	s2 =	rddreg [dreg:$0x1];
	s3 =	simm.s32 $0x0;
	s7 =	smul.u32 $0xC800, s0  }
0x4: {  	s9 =	sand.u32 $0x1, s1;
	s1 =	rddreg [dreg:$0x2];
	s20 =	smul.u32 $0x3E80, s0  }
0x5: {  	[smem:$0x7FF] =	sst s3;
	s21 =	smul.u32 $0x7D0, s0  }
0x6: {  	s11 =	sadd.s32 $0x852400, s4;
	s10 =	sadd.s32 $0x856400, s4;
	s15 =	sshll.u32 s0, $0x1  }
0x7: {  	s26 =	sshll.u32 s0, $0x6;
	s6 =	smul.u32 $0x3200, s9;
	_ =	strace $0x8000004A  }
0x8: {  	s8 =	smul.u32 $0x7D00, s9;
	s14 =	ssub.s32 $0x2, s9;
	s24 =	sor.u32 s9, s15  }
0x9: {  	s30 =	smul.u32 $0x6400, s9;
	s15 =	simm.s32 $0x1;
	s12 =	sadd.s32 s7, s4  }
0xa: {  	s22 =	sshrl.u32 s20, $0x3;
	s23 =	sshrl.u32 s14, $0x1;
	s25 =	sadd.s32 s20, s2  }
0xb: {  	s17 =	sshll.u32 s24, $0x8;
	s28 =	sshll.u32 s24, $0x5;
	s5 =	sadd.s32 s6, s5  }
0xc: {  	s7 =	sadd.s32 s22, s4;
	s29 =	sor.u32 $0x80, s17;
	s12 =	sadd.s32 s30, s12  }
0xd: {  	s17 =	simm.s32 $0x0;
	s5 =	sshrl.u32 s5, $0x3;
	s31 =	sshrl.u32 s29, $0x3  }
0xe: {  	s12 =	sadd.s32 $0x856A00, s12;
	s13 =	sadd.s32 s5, s4;
	s5 =	sadd.s32 s21, s8  }
0xf: {  	s8 =	ssub.s32 s14, s23;
	s14 =	sshll.u32 s24, $0x9;
	s16 =	sadd.s32 s5, s4  }
0x10: {  	s4 =	sadd.s32 $0x10000, s7;
	s5 =	sor.u32 $0x1C01, s26;
	s7 =	sadd.s32 s10, s28  }
0x11: {  	s8 =	smax.u32 s8, $0x1;
	s9 =	sadd.s32 s11, s14;
	s10 =	sadd.s32 s10, s31  }
0x12: {  	s13 =	sadd.s32 $0x3800, s13;
	s6 =	sadd.s32 $0x17E00, s16;
	s16 =	sshll.u32 s29, $0x1  }
0x13: {  	s14 =	sshrl.u32 s25, $0x3;
	s11 =	sadd.s32 s11, s16;
	s16 =	simm.s32 $0x80  }
.LBB2_1:
0x14: {  	[spmem:s14], [sflag:s5] =	dma.local [hbm:s4], $0x7D0  }
0x15: {  	_ =	swait.ge [sflag:s15], $0x7D0  }
0x16: {  	[sflag:s15] =	ssyncset.done $0x0  }
0x17: {  	[sflag:s15] =	ssyncadd.s32 $0xFFFFF830  }
0x18: {  	s18 =	sadd.s32 $0x0, s13;
	[bflag:$0x0] =	sbarrier.arrive $0xFFFF  }
0x19: {  	[tilespmem:s3], [sflag:$0x1] =	stream.linear.gather [hbm4b:s18+s3], $0x80, $0x38;
	[tilespmem:$0x4700] =	vst v63  }
0x1a: {  	_ =	swait.ge [sflag:s15], $0x80  }
0x1b: {  	[sflag:s15] =	ssyncset.done $0x0  }
0x1c: {  	[sflag:s15] =	ssyncadd.s32 $0xFFFFFF80  }
0x1d: {  	[tilespmem:s16], [sflag:$0x1] =	stream.linear.gather [hbm4b:s12+s3], $0x800, $0x38;
	[tilespmem:$0x4700] =	vst v63  }
0x1e: {  	_ =	swait.ge [sflag:s15], $0x800  }
0x1f: {  	[sflag:s15] =	ssyncset.done $0x0  }
0x20: {  	[sflag:s15] =	ssyncadd.s32 $0xFFFFF800  }
0x21: {  	[spmem:s2] =	stream.indirect.scatter.add.f32 [tilespmem:s16], [sflag:$0x1], $0x10, s3, s16, $0xb8;
	[tilespmem:$0x4700] =	vst v63  }
0x22: {  	s19 =	simm.s32 $0x10;
	_ =	swait.ge [sflag:s15], $0x800  }
0x23: {  	s20 =	simm.s32 $0x20;
	s18 =	sadd.s32 $0x100, s12;
	[sflag:s15] =	ssyncset.done $0x0  }
.LBB2_2:
0x24: {  	s21 =	sadd.s32 s19, s13  }
0x25: {  	[sflag:s15] =	ssyncadd.s32 $0xFFFFF800;
	s19 =	smov.u32 s20;
	s22 =	sadd.s32 $0x10, s20  }
0x26: {  	[tilespmem:s3], [sflag:$0x1] =	stream.linear.gather [hbm4b:s21+s3], $0x80, $0x38;
	[tilespmem:$0x4700] =	vst v63  }
0x27: {  	p0 =	sne.s32 s20, $0x630;
	_ =	swait.ge [sflag:s15], $0x80  }
0x28: {  	[sflag:s15] =	ssyncset.done $0x0  }
0x29: {  	[sflag:s15] =	ssyncadd.s32 $0xFFFFFF80  }
0x2a: {  	[tilespmem:s16], [sflag:$0x1] =	stream.linear.gather [hbm4b:s18+s3], $0x800, $0x38;
	[tilespmem:$0x4700] =	vst v63  }
0x2b: {  	_ =	swait.ge [sflag:s15], $0x800  }
.Ltmp0:
0x2c: {  	[sflag:s15] =	ssyncset.done $0x0;
	(pc) =	sbr.rel @p0 .LBB2_2-.Ltmp0, $4  }
0x2d: {  	[sflag:s15] =	ssyncadd.s32 $0xFFFFF800  }
0x2e: {  	[spmem:s2] =	stream.indirect.scatter.add.f32 [tilespmem:s16], [sflag:$0x1], $0x10, s3, s16, $0xb8;
	[tilespmem:$0x4700] =	vst v63  }
0x2f: {  	_ =	swait.ge [sflag:s15], $0x800  }
0x30: {  	s20 =	smov.u32 s22;
	s18 =	sadd.s32 $0x100, s18;
	[sflag:s15] =	ssyncset.done $0x0  }
0x31: {  	s19 =	sadd.s32 s19, s13;
	[sflag:s15] =	ssyncadd.s32 $0xFFFFF800  }
0x32: {  	[tilespmem:s3], [sflag:$0x1] =	stream.linear.gather [hbm4b:s19+s3], $0x80, $0x38;
	[tilespmem:$0x4700] =	vst v63  }
0x33: {  	_ =	swait.ge [sflag:s15], $0x80  }
0x34: {  	[sflag:s15] =	ssyncset.done $0x0  }
0x35: {  	[sflag:s15] =	ssyncadd.s32 $0xFFFFFF80  }
0x36: {  	[tilespmem:s16], [sflag:$0x1] =	stream.linear.gather [hbm4b:s18+s3], $0x800, $0x38;
	[tilespmem:$0x4700] =	vst v63  }
0x37: {  	_ =	swait.ge [sflag:s15], $0x800  }
0x38: {  	[sflag:s15] =	ssyncset.done $0x0  }
0x39: {  	[sflag:s15] =	ssyncadd.s32 $0xFFFFF800  }
0x3a: {  	[spmem:s2] =	stream.indirect.scatter.add.f32 [tilespmem:s16], [sflag:$0x1], $0x10, s3, s16, $0xb8;
	[tilespmem:$0x4700] =	vst v63  }
0x3b: {  	_ =	swait.ge [sflag:s15], $0x800  }
0x3c: {  	[sflag:s15] =	ssyncset.done $0x0  }
0x3d: {  	[sflag:s15] =	ssyncadd.s32 $0xFFFFF800  }
0x3e: {  	[tilespmem:s3], [sflag:$0x1] =	stream.linear.gather [hbm4b:s7+s3], $0x80, $0x38;
	[tilespmem:$0x4700] =	vst v63  }
0x3f: {  	_ =	swait.ge [sflag:s15], $0x80  }
0x40: {  	[sflag:s15] =	ssyncset.done $0x0  }
0x41: {  	[sflag:s15] =	ssyncadd.s32 $0xFFFFFF80  }
0x42: {  	[tilespmem:s16], [sflag:$0x1] =	stream.linear.gather [hbm4b:s9+s3], $0x800, $0x38;
	[tilespmem:$0x4700] =	vst v63  }
0x43: {  	_ =	swait.ge [sflag:s15], $0x800  }
0x44: {  	[sflag:s15] =	ssyncset.done $0x0  }
0x45: {  	[sflag:s15] =	ssyncadd.s32 $0xFFFFF800  }
0x46: {  	[spmem:s2] =	stream.indirect.scatter.add.f32 [tilespmem:s16], [sflag:$0x1], $0x10, s3, s16, $0xb8;
	[tilespmem:$0x4700] =	vst v63  }
0x47: {  	_ =	swait.ge [sflag:s15], $0x800  }
0x48: {  	[sflag:s15] =	ssyncset.done $0x0  }
0x49: {  	[sflag:s15] =	ssyncadd.s32 $0xFFFFF800  }
0x4a: {  	[tilespmem:s3], [sflag:$0x1] =	stream.linear.gather [hbm4b:s10+s3], $0x80, $0x38;
	[tilespmem:$0x4700] =	vst v63  }
0x4b: {  	_ =	swait.ge [sflag:s15], $0x80  }
0x4c: {  	[sflag:s15] =	ssyncset.done $0x0  }
0x4d: {  	[sflag:s15] =	ssyncadd.s32 $0xFFFFFF80  }
0x4e: {  	[tilespmem:s16], [sflag:$0x1] =	stream.linear.gather [hbm4b:s11+s3], $0x800, $0x38;
	[tilespmem:$0x4700] =	vst v63  }
0x4f: {  	_ =	swait.ge [sflag:s15], $0x800  }
0x50: {  	[sflag:s15] =	ssyncset.done $0x0  }
0x51: {  	[sflag:s15] =	ssyncadd.s32 $0xFFFFF800  }
0x52: {  	[spmem:s2] =	stream.indirect.scatter.add.f32 [tilespmem:s16], [sflag:$0x1], $0x10, s3, s16, $0xb8;
	[tilespmem:$0x4700] =	vst v63  }
0x53: {  	_ =	swait.ge [sflag:s15], $0x800  }
0x54: {  	s17 =	sadd.s32 $0x1, s17;
	[sflag:s15] =	ssyncset.done $0x0  }
0x55: {  	p0 =	sne.s32 s17, s8;
	[sflag:s15] =	ssyncadd.s32 $0xFFFFF800  }
.Ltmp1:
0x56: {  	[bflag:$0x0] =	sbarrier.arrive $0xFFFF;
	(pc) =	sbr.rel @p0 .LBB2_1-.Ltmp1, $4  }
0x57: {  	[hbm:s6], [sflag:s5] =	dma.local [spmem:s14], $0x7D0  }
0x58: {  	_ =	swait.ge [sflag:s15], $0x7D0  }
0x59: {  	[sflag:s15] =	ssyncset.done $0x0  }
0x5a: {  	[sflag:s15] =	ssyncadd.s32 $0xFFFFF830  }
0x5b: {  	_ =	sfence.sel $0x180000  }
0x5c: {  	[bflag:$0x0] =	sbarrier.arrive $0xFFFF  }
0x5d: {  	p0 =	sne.s32 s0, $0x0;
	_ =	strace $0x9000004A  }
0x5e: {  	s0 =	sadd.s32 @!p0 $0x100000, s1;
	[bflag:$0x2] =	sbarrier.arrive $0xFFFF  }
0x5f: {  	[sflag:s0] =	ssyncadd.tile.s32 @!p0 $0x1;
	_ =	shalt  }
.Lfunc_end2:
_tile_overlayer_lowered:
.L_overlay_start_2:
0x60: {  	(tag) =	ssettag $0x2  }
0x61: {  	s0 =	rddreg [dreg:$0x0];
	s2 =	stileid.u32  }
0x62: {  	s1 =	rddreg [dreg:$0x1];
	p0 =	sne.s32 s2, $0x0  }
0x63: {  	s3 =	rddreg [dreg:$0x2];
	[bflag:$0x3] =	sbarrier.arrive $0xFFFF;
	s2 =	simm.s32 @!p0 $0x1C01  }
0x64: {  	[timem:s3], [sflag:s2] =	dma.local @!p0 [hbm:s0], s1  }
0x65: {  	s0 =	simm.s32 @!p0 $0x1  }
0x66: {  	_ =	swait.ge @!p0 [sflag:s0], s1  }
0x67: {  	s1 =	ssub.s32 @!p0 $0x0, s1;
	[sflag:s0] =	ssyncset.done @!p0 $0x0  }
0x68: {  	[sflag:s0] =	ssyncadd.s32 @!p0 s1  }
0x69: {  	[bflag:$0x3] =	sbarrier.arrive $0xFFFF  }
0x6a: {  	_ =	shalt  }

// kernel: kernel.7.cloned.1.call-start
scs
__scs_entry_jumppad:
0x0: {  	(pc) =	sbr.rel $0x88, $3  }
0x1: {  	(tag) =	ssettag $0x0;
	lr =	simm.s32 $0x1  }
0x2: {  	[smem:$0x3F8C] =	sst lr;
	_ =	strace $0xD0000000  }
0x3: {  	_ = 	snop  }
0x4: {  	_ = 	snop  }
0x5: {  	_ = 	snop  }
0x6: {  	_ = 	snop  }
0x7: {  	_ = 	snop  }
__scs_overlays_trampoline_lowered:
0x8: {  	[smem:$0x3F9B] =	sst s0  }
0x9: {  	[smem:$0x3F9C] =	sst s1  }
0xa: {  	[smem:$0x3F9D] =	sst s2  }
0xb: {  	[smem:$0x3F9E] =	sst s3  }
0xc: {  	[smem:$0x3F9F] =	sst s4  }
0xd: {  	[smem:$0x3FA0] =	sst s5  }
0xe: {  	[smem:$0x3FA1] =	sst s6  }
0xf: {  	[smem:$0x3FA2] =	sst s7  }
0x10: {  	[smem:$0x3FA3] =	sst s8  }
0x11: {  	[smem:$0x3FA4] =	sst s9;
	s0 =	simm.s32 @!p0 $0x0  }
0x12: {  	s1 =	sld [smem:$0x3F8A];
	s0 =	simm.s32 @p0 $0x1  }
0x13: {  	[smem:$0x3FA5] =	sst s0;
	s0 =	simm.s32 @!p1 $0x0  }
0x14: {  	s2 =	sld [smem:$0x3F89];
	s0 =	simm.s32 @p1 $0x1  }
0x15: {  	[smem:$0x3FA6] =	sst s0;
	s0 =	simm.s32 @!p2 $0x0  }
0x16: {  	s3 =	sld [smem:$0x3FDB];
	s0 =	simm.s32 @p2 $0x1  }
0x17: {  	s4 =	simm.s32 $0x1BF5;
	[smem:$0x3FA8] =	sst s0  }
0x18: {  	s0 =	sld [smem:$0x3F8B];
	_ =	swait.ge [sflag:s4], $0x0  }
0x19: {  	s7 =	sld [smem:$0x3F8C]  }
0x1a: {  	s8 =	sadd.s32 $0xFFFFE003, lr  }
0x1b: {  	s9 =	sadd.s32 $0xFFFFFEF7, lr;
	s5 =	simm.s32 $0xFFFFFFFF;
	p2 =	slt.u32 s8, $0xFFFFF086  }
0x1c: {  	p1 =	slt.u32 s9, $0xF7A;
	s5 =	simm.s32 @!p2 $0x0  }
0x1d: {  	s5 =	simm.s32 @p1 $0x1;
	p0 =	seq.s32 s7, s2  }
0x1e: {  	s7 =	smul.u32 @!p0 $0xF7A, s2;
	p2 =	seq.s32 @!p0 s5, $0x0  }
0x1f: {  	s9 =	smul.u32 $0xF7A, s1;
	s8 =	simm.s32 @!p0 $0x1BF5;
	p2 =	por !p2, p0  }
0x20: {  	[sflag:s8] =	ssyncset.s32 @!p0 $0xFFFFF086;
	s6 =	sadd.s32 @!p0 s3, s7;
	s7 =	simm.s32 @!p0 $0x108  }
0x21: {  	s3 =	sadd.s32 s3, s9;
	s6 =	sadd.s32 @!p0 $0x88, s6;
	s7 =	simm.s32 @p2 $0x1082  }
0x22: {  	[simem:s7], [sflag:s8] =	dma.local @!p0 [hbm:s6], $0xF7A  }
0x23: {  	s9 =	sor.u32 $0xD0000000, s2;
	s6 =	simm.s32 $0x108;
	_ =	swait.ge @!p0 [sflag:s8], $0x0  }
0x24: {  	s3 =	sadd.s32 $0x88, s3;
	s6 =	simm.s32 @!p1 $0x1082;
	[sflag:s4] =	ssyncset.s32 $0xFFFFF086  }
0x25: {  	[simem:s6], [sflag:s4] =	dma.local [hbm:s3], $0xF7A  }
0x26: {  	[smem:$0x3F8C] =	sst s1;
	(tag) =	ssettag s2;
	_ =	strace s9  }
0x27: {  	s1 =	sld [smem:$0x3F9C]  }
0x28: {  	s2 =	sld [smem:$0x3F9D]  }
0x29: {  	s4 =	sld [smem:$0x3F9F]  }
0x2a: {  	p0 =	seq.s32 s5, $0x0;
	s5 =	sld [smem:$0x3FA0]  }
0x2b: {  	s6 =	sld [smem:$0x3FA1]  }
0x2c: {  	s7 =	sld [smem:$0x3FA2]  }
0x2d: {  	s3 =	simm.s32 $0x108;
	s8 =	sld [smem:$0x3FA3]  }
0x2e: {  	s3 =	simm.s32 @!p0 $0x1082;
	s9 =	sld [smem:$0x3FA4]  }
0x2f: {  	lr =	sadd.s32 s0, s3;
	s0 =	sld [smem:$0x3F9B]  }
0x30: {  	s3 =	sld [smem:$0x3F9E]  }
0x31: {  	[smem:$0x3FA7] =	sst s10  }
0x32: {  	s10 =	sld [smem:$0x3FA5];
	_ =	sdelay $0x3  }
0x33: {  	p0 =	seq.s32 s10, $0x1;
	s10 =	sld [smem:$0x3FA7];
	_ =	sdelay $0x3  }
0x34: {  	[smem:$0x3FA7] =	sst s10  }
0x35: {  	s10 =	sld [smem:$0x3FA6];
	_ =	sdelay $0x3  }
0x36: {  	p1 =	seq.s32 s10, $0x1;
	s10 =	sld [smem:$0x3FA7];
	_ =	sdelay $0x3  }
0x37: {  	[smem:$0x3FA7] =	sst s10  }
0x38: {  	s10 =	sld [smem:$0x3FA8]  }
0x39: {  	_ = 	snop;
	(pc) =	sbr.ind lr, $3  }
0x3a: {  	_ = 	snop  }
0x3b: {  	_ = 	snop  }
0x3c: {  	p2 =	seq.s32 s10, $0x1;
	s10 =	sld [smem:$0x3FA7]  }
0x3d: {  	_ =	shalt  }
0x3e: {  	_ =	shalt  }
0x3f: {  	_ =	shalt  }
0x40: {  	_ =	shalt  }
0x41: {  	_ =	shalt  }
0x42: {  	_ =	shalt  }
0x43: {  	_ =	shalt  }
0x44: {  	_ =	shalt  }
0x45: {  	_ =	shalt  }
0x46: {  	_ =	shalt  }
0x47: {  	_ =	shalt  }
0x48: {  	_ =	shalt  }
0x49: {  	_ =	shalt  }
0x4a: {  	_ =	shalt  }
0x4b: {  	_ =	shalt  }
0x4c: {  	_ =	shalt  }
0x4d: {  	_ =	shalt  }
0x4e: {  	_ =	shalt  }
0x4f: {  	_ =	shalt  }
0x50: {  	_ =	shalt  }
0x51: {  	_ =	shalt  }
0x52: {  	_ =	shalt  }
0x53: {  	_ =	shalt  }
0x54: {  	_ =	shalt  }
0x55: {  	_ =	shalt  }
0x56: {  	_ =	shalt  }
0x57: {  	_ =	shalt  }
0x58: {  	_ =	shalt  }
0x59: {  	_ =	shalt  }
0x5a: {  	_ =	shalt  }
0x5b: {  	_ =	shalt  }
0x5c: {  	_ =	shalt  }
0x5d: {  	_ =	shalt  }
0x5e: {  	_ =	shalt  }
0x5f: {  	_ =	shalt  }
0x60: {  	_ =	shalt  }
0x61: {  	_ =	shalt  }
0x62: {  	_ =	shalt  }
0x63: {  	_ =	shalt  }
0x64: {  	_ =	shalt  }
0x65: {  	_ =	shalt  }
0x66: {  	_ =	shalt  }
0x67: {  	_ =	shalt  }
0x68: {  	_ =	shalt  }
0x69: {  	_ =	shalt  }
0x6a: {  	_ =	shalt  }
0x6b: {  	_ =	shalt  }
0x6c: {  	_ =	shalt  }
0x6d: {  	_ =	shalt  }
0x6e: {  	_ =	shalt  }
0x6f: {  	_ =	shalt  }
0x70: {  	_ =	shalt  }
0x71: {  	_ =	shalt  }
0x72: {  	_ =	shalt  }
0x73: {  	_ =	shalt  }
0x74: {  	_ =	shalt  }
0x75: {  	_ =	shalt  }
0x76: {  	_ =	shalt  }
0x77: {  	_ =	shalt  }
0x78: {  	_ =	shalt  }
0x79: {  	_ =	shalt  }
0x7a: {  	_ =	shalt  }
0x7b: {  	_ =	shalt  }
0x7c: {  	_ =	shalt  }
0x7d: {  	_ =	shalt  }
0x7e: {  	_ =	shalt  }
0x7f: {  	_ =	shalt  }
0x80: {  	_ =	shalt  }
0x81: {  	_ =	shalt  }
0x82: {  	_ =	shalt  }
0x83: {  	_ =	shalt  }
0x84: {  	_ =	shalt  }
0x85: {  	_ =	shalt  }
0x86: {  	_ =	shalt  }
0x87: {  	_ =	shalt  }
.Lfunc_end0:
.L_simem_size_0:
called_computation_lowered:
.L_overlay_start_0:
0x88: {  	s2 =	sld [smem:$0x3FD9]  }
0x89: {  	s3 =	sld [smem:$0x3FFE];
	_ =	sdelay $0x1  }
0x8a: {  	s1 =	srdreg.scid  }
0x8b: {  	s0 =	sand.u32 $0x1, s1  }
0x8c: {  	s16 =	sshll.u32 s0, $0xA;
	s2 =	sadd.s32 s3, s2  }
0x8d: {  	s2 =	sadd.s32 s2, s16  }
0x8e: {  	[smem:$0x3FB3] =	sst s2  }
0x8f: {  	_ = 	snop  }
0x90: {  	(tm) =	ssettm $0x1  }
0x91: {  	s17 =	sld [smem:$0x3FFB];
	_ =	sdelay $0x3  }
0x92: {  	_ =	strace s17  }
0x93: {  	s2 =	sld [smem:$0x3FFC];
	_ =	sdelay $0x3  }
0x94: {  	_ =	strace s2  }
0x95: {  	s2 =	sld [smem:$0x3FFD];
	_ =	sdelay $0x3  }
0x96: {  	_ =	strace s2  }
0x97: {  	_ =	strace $0x8FFFFFFF  }
0x98: {  	s18 =	sld [smem:$0x3FDB];
	_ =	sdelay $0x1  }
0x99: {  	s19 =	simm.s32 $_scs_section_size  }
0x9a: {  	s4 =	simm.s32 $_size__tile_overlayer_lowered;
	s5 =	simm.s32 $_tile_overlayer_lowered  }
0x9b: {  	s22 =	simm.s32 $0x1BFF;
	s21 =	sshll.u32 s5, $0x1;
	s2 =	sadd.s32 s19, s18  }
0x9c: {  	s6 =	simm.s32 $0x0;
	s20 =	sshll.u32 s4, $0x1;
	s4 =	sadd.s32 s21, s2  }
0x9d: {  	[timem:s6], [sflag:s22] =	dma.local [hbm:s4], s20  }
0x9e: {  	_ =	swait.ge [sflag:s22], s20  }
0x9f: {  	s3 =	ssub.s32 $0x0, s20;
	[sflag:s22] =	ssyncset.done $0x0  }
0xa0: {  	[sflag:s22] =	ssyncadd.s32 s3;
	_ =	sdelay $0x1  }
0xa1: {  	s23 =	simm.s32 $0x1B8B  }
0xa2: {  	_ =	swait.ge [sflag:s23], $0x1  }
0xa3: {  	[sflag:s23] =	ssyncset.done $0x0  }
0xa4: {  	s25 =	simm.s32 $0x1B8E;
	s24 =	sld [smem:$0x3FFE];
	[sflag:s23] =	ssyncadd.s32 $0xFFFFFFFF  }
0xa5: {  	s26 =	simm.s32 $execute0_lowered;
	[smem:$0x3FD2] =	sst s25  }
0xa6: {  	s4 =	sshll.u32 s26, $0x1;
	_ =	strace $0x80000046;
	[dreg:$0x1] =	wrdreg $0xFFFFFFFF  }
0xa7: {  	s28 =	simm.s32 $_size_execute0_lowered;
	s2 =	sadd.s32 s2, s4;
	[dreg:$0x0] =	wrdreg $0x0  }
0xa8: {  	s4 =	sshll.u32 s28, $0x1;
	[dreg:$0x2] =	wrdreg s2  }
0xa9: {  	[dreg:$0x3] =	wrdreg s4  }
0xaa: {  	[dreg:$0x4] =	wrdreg $0xC0  }
0xab: {  	_ =	task [dreg:s6], $0x5FFFF  }
0xac: {  	[dreg:$0x1] =	wrdreg $0xFFFFFFFF  }
0xad: {  	[dreg:$0x0] =	wrdreg $0x60  }
0xae: {  	[dreg:$0x2] =	wrdreg s24  }
0xaf: {  	[dreg:$0x3] =	wrdreg $0x9  }
0xb0: {  	_ =	task.clear_ibuf [dreg:s6], $0x4FFFF;
	_ =	strace $0x90000046  }
0xb1: {  	s29 =	simm.s32 $0x9;
	_ =	strace $0x80000048  }
0xb2: {  	_ =	swait.ge [sflag:s29], $0x1  }
0xb3: {  	[sflag:s29] =	ssyncadd.s32 $0xFFFFFFFF  }
0xb4: {  	_ =	strace $0x90000048  }
0xb5: {  	_ =	sfence  }
0xb6: {  	s30 =	sld [smem:$0x0];
	_ =	sdelay $0x2  }
0xb7: {  	s31 =	sshll.u32 s1, $0xD;
	s1 =	sshrl.u32 s1, $0x2  }
0xb8: {  	s3 =	sand.u32 $0x4000, s31;
	s1 =	sadd.s32 s1, s30  }
0xb9: {  	s0 =	sor.u32 s3, s0;
	s1 =	sshll.u32 s1, $0x11  }
0xba: {  	s0 =	sor.u32 s1, s0  }
0xbb: {  	s0 =	sadd.s32 $0x8F2B, s0  }
0xbc: {  	[sflag:s0] =	ssyncadd.remote.s32 $0x1  }
0xbd: {  	_ =	sfence.sel $0xFFFF  }
0xbe: {  	[dreg:$0x0] =	wrdreg $0xFFFFFFFF;
	(pc) =	sbr.abs _section_cstart, $3  }
0xbf: {  	[dreg:$0x1] =	wrdreg $0xFFFFFFFF  }
0xc0: {  	_ =	task.clear_ibuf [dreg:s6], $0x2FFFF;
	_ =	strace $0x9FFFFFFF  }
0xc1: {  	(tm) =	ssettm $0x7FFFFFFF  }
tec
execute0_lowered:
.L_overlay_start_1:
0x0: {  	(tag) =	ssettag $0x1  }
0x1: {  	s5 =	rddreg [dreg:$0x0]  }
0x2: {  	s0 =	rddreg [dreg:$0x1];
	s2 =	simm.s32 $0x0;
	s1 =	stileid.u32  }
0x3: {  	s3 =	srdreg.scid;
	s12 =	simm.s32 $0x1;
	s7 =	smul.u32 $0x6400, s1  }
0x4: {  	s13 =	simm.s32 $0x0;
	s6 =	sand.u32 $0x1, s3;
	s9 =	smul.u32 $0xC800, s1  }
0x5: {  	[smem:$0x7FF] =	sst s2;
	s3 =	sadd.s32 $0x1C800, s5;
	s8 =	smul.u32 $0x3200, s6  }
0x6: {  	s4 =	sadd.s32 $0x7E400, s5;
	s29 =	ssub.s32 $0x2, s6;
	s6 =	smul.u32 $0x6400, s6  }
0x7: {  	_ =	strace $0x80000047;
	s9 =	sadd.s32 s9, s5;
	s10 =	sshrl.u32 s29, $0x1  }
0x8: {  	s7 =	sadd.s32 s8, s7;
	s30 =	ssub.s32 s29, s10;
	s31 =	sadd.s32 s6, s9  }
0x9: {  	s10 =	simm.s32 $0x2;
	s7 =	sshrl.u32 s7, $0x3;
	s6 =	sadd.s32 $0x14A400, s31  }
0xa: {  	s11 =	sadd.s32 s7, s5;
	s5 =	smax.u32 s30, $0x1;
	s7 =	sadd.s32 $0x82400, s31  }
0xb: {  	s8 =	sadd.s32 $0x3800, s11;
	s9 =	sadd.s32 $0x10000, s11;
	s11 =	simm.s32 $0x80  }
.LBB2_1:
0xc: {  	s14 =	sadd.s32 $0x0, s9  }
0xd: {  	[tilespmem:s2], [sflag:$0x2] =	stream.linear.gather [hbm4b:s14+s2], $0x80, $0x38;
	[tilespmem:$0x880] =	vst v63  }
0xe: {  	_ =	swait.ge [sflag:s10], $0x80  }
0xf: {  	[sflag:s10] =	ssyncset.done $0x0  }
0x10: {  	[sflag:s10] =	ssyncadd.s32 $0xFFFFFF80  }
0x11: {  	[tilespmem:s11], [sflag:$0x1] =	stream.indirect.gather [hbm4b:s3+s11], $0x10, s2, s11, $0xb8;
	[tilespmem:$0x880] =	vst v63  }
0x12: {  	_ =	swait.ge [sflag:s12], $0x800  }
0x13: {  	[sflag:s12] =	ssyncset.done $0x0  }
0x14: {  	[sflag:s12] =	ssyncadd.s32 $0xFFFFF800  }
0x15: {  	[hbm4b:s7+s2] =	stream.linear.scatter [tilespmem:s11], [sflag:$0x2], $0x800, $0x38;
	[tilespmem:$0x880] =	vst v63  }
0x16: {  	_ =	swait.ge [sflag:s10], $0x800  }
0x17: {  	[sflag:s10] =	ssyncset.done $0x0  }
0x18: {  	s31 =	sadd.s32 $0x0, s8;
	[sflag:s10] =	ssyncadd.s32 $0xFFFFF800  }
0x19: {  	[tilespmem:s2], [sflag:$0x2] =	stream.linear.gather [hbm4b:s31+s2], $0x80, $0x38;
	[tilespmem:$0x880] =	vst v63  }
0x1a: {  	_ =	swait.ge [sflag:s10], $0x80  }
0x1b: {  	[sflag:s10] =	ssyncset.done $0x0  }
0x1c: {  	[sflag:s10] =	ssyncadd.s32 $0xFFFFFF80  }
0x1d: {  	[tilespmem:s11], [sflag:$0x1] =	stream.indirect.gather [hbm4b:s4+s11], $0x10, s2, s11, $0xb8;
	[tilespmem:$0x880] =	vst v63  }
0x1e: {  	_ =	swait.ge [sflag:s12], $0x800  }
0x1f: {  	[sflag:s12] =	ssyncset.done $0x0  }
0x20: {  	[sflag:s12] =	ssyncadd.s32 $0xFFFFF800  }
0x21: {  	[hbm4b:s6+s2] =	stream.linear.scatter [tilespmem:s11], [sflag:$0x2], $0x800, $0x38;
	[tilespmem:$0x880] =	vst v63  }
0x22: {  	s15 =	simm.s32 $0x10;
	s17 =	simm.s32 $0x20;
	_ =	swait.ge [sflag:s10], $0x800  }
0x23: {  	s16 =	sadd.s32 $0x100, s7;
	s14 =	sadd.s32 $0x100, s6;
	[sflag:s10] =	ssyncset.done $0x0  }
.LBB2_2:
0x24: {  	s18 =	sadd.s32 s15, s9  }
0x25: {  	[sflag:s10] =	ssyncadd.s32 $0xFFFFF800;
	s19 =	smov.u32 s17;
	s20 =	sadd.s32 $0x10, s17  }
0x26: {  	[tilespmem:s2], [sflag:$0x2] =	stream.linear.gather [hbm4b:s18+s2], $0x80, $0x38;
	[tilespmem:$0x880] =	vst v63  }
0x27: {  	p0 =	sne.s32 s17, $0x630;
	_ =	swait.ge [sflag:s10], $0x80  }
0x28: {  	[sflag:s10] =	ssyncset.done $0x0  }
0x29: {  	[sflag:s10] =	ssyncadd.s32 $0xFFFFFF80  }
0x2a: {  	[tilespmem:s11], [sflag:$0x1] =	stream.indirect.gather [hbm4b:s3+s11], $0x10, s2, s11, $0xb8;
	[tilespmem:$0x880] =	vst v63  }
0x2b: {  	_ =	swait.ge [sflag:s12], $0x800  }
0x2c: {  	[sflag:s12] =	ssyncset.done $0x0  }
0x2d: {  	[sflag:s12] =	ssyncadd.s32 $0xFFFFF800  }
0x2e: {  	[hbm4b:s16+s2] =	stream.linear.scatter [tilespmem:s11], [sflag:$0x2], $0x800, $0x38;
	[tilespmem:$0x880] =	vst v63  }
0x2f: {  	_ =	swait.ge [sflag:s10], $0x800  }
0x30: {  	[sflag:s10] =	ssyncset.done $0x0  }
0x31: {  	s17 =	sadd.s32 s15, s8;
	s15 =	smov.u32 s19;
	[sflag:s10] =	ssyncadd.s32 $0xFFFFF800  }
0x32: {  	[tilespmem:s2], [sflag:$0x2] =	stream.linear.gather [hbm4b:s17+s2], $0x80, $0x38;
	[tilespmem:$0x880] =	vst v63  }
0x33: {  	_ =	swait.ge [sflag:s10], $0x80  }
0x34: {  	[sflag:s10] =	ssyncset.done $0x0  }
0x35: {  	[sflag:s10] =	ssyncadd.s32 $0xFFFFFF80  }
0x36: {  	[tilespmem:s11], [sflag:$0x1] =	stream.indirect.gather [hbm4b:s4+s11], $0x10, s2, s11, $0xb8;
	[tilespmem:$0x880] =	vst v63  }
0x37: {  	_ =	swait.ge [sflag:s12], $0x800  }
.Ltmp0:
0x38: {  	[sflag:s12] =	ssyncset.done $0x0;
	(pc) =	sbr.rel @p0 .LBB2_2-.Ltmp0, $4  }
0x39: {  	[sflag:s12] =	ssyncadd.s32 $0xFFFFF800  }
0x3a: {  	[hbm4b:s14+s2] =	stream.linear.scatter [tilespmem:s11], [sflag:$0x2], $0x800, $0x38;
	[tilespmem:$0x880] =	vst v63  }
0x3b: {  	s16 =	sadd.s32 $0x100, s16;
	_ =	swait.ge [sflag:s10], $0x800  }
0x3c: {  	s17 =	smov.u32 s20;
	s14 =	sadd.s32 $0x100, s14;
	[sflag:s10] =	ssyncset.done $0x0  }
0x3d: {  	s17 =	sadd.s32 s15, s9;
	[sflag:s10] =	ssyncadd.s32 $0xFFFFF800  }
0x3e: {  	[tilespmem:s2], [sflag:$0x2] =	stream.linear.gather [hbm4b:s17+s2], $0x80, $0x38;
	[tilespmem:$0x880] =	vst v63  }
0x3f: {  	_ =	swait.ge [sflag:s10], $0x80  }
0x40: {  	[sflag:s10] =	ssyncset.done $0x0  }
0x41: {  	[sflag:s10] =	ssyncadd.s32 $0xFFFFFF80  }
0x42: {  	[tilespmem:s11], [sflag:$0x1] =	stream.indirect.gather [hbm4b:s3+s11], $0x10, s2, s11, $0xb8;
	[tilespmem:$0x880] =	vst v63  }
0x43: {  	_ =	swait.ge [sflag:s12], $0x800  }
0x44: {  	[sflag:s12] =	ssyncset.done $0x0  }
0x45: {  	[sflag:s12] =	ssyncadd.s32 $0xFFFFF800  }
0x46: {  	[hbm4b:s16+s2] =	stream.linear.scatter [tilespmem:s11], [sflag:$0x2], $0x800, $0x38;
	[tilespmem:$0x880] =	vst v63  }
0x47: {  	_ =	swait.ge [sflag:s10], $0x800  }
0x48: {  	[sflag:s10] =	ssyncset.done $0x0  }
0x49: {  	s31 =	sadd.s32 s15, s8;
	[sflag:s10] =	ssyncadd.s32 $0xFFFFF800  }
0x4a: {  	[tilespmem:s2], [sflag:$0x2] =	stream.linear.gather [hbm4b:s31+s2], $0x80, $0x38;
	[tilespmem:$0x880] =	vst v63  }
0x4b: {  	_ =	swait.ge [sflag:s10], $0x80  }
0x4c: {  	[sflag:s10] =	ssyncset.done $0x0  }
0x4d: {  	[sflag:s10] =	ssyncadd.s32 $0xFFFFFF80  }
0x4e: {  	[tilespmem:s11], [sflag:$0x1] =	stream.indirect.gather [hbm4b:s4+s11], $0x10, s2, s11, $0xb8;
	[tilespmem:$0x880] =	vst v63  }
0x4f: {  	s13 =	sadd.s32 $0x1, s13;
	_ =	swait.ge [sflag:s12], $0x800  }
0x50: {  	p0 =	sne.s32 s13, s5;
	[sflag:s12] =	ssyncset.done $0x0  }
.Ltmp1:
0x51: {  	[sflag:s12] =	ssyncadd.s32 $0xFFFFF800;
	(pc) =	sbr.rel @p0 .LBB2_1-.Ltmp1, $4  }
0x52: {  	[hbm4b:s14+s2] =	stream.linear.scatter [tilespmem:s11], [sflag:$0x2], $0x800, $0x38;
	[tilespmem:$0x880] =	vst v63  }
0x53: {  	_ =	swait.ge [sflag:s10], $0x800  }
0x54: {  	[sflag:s10] =	ssyncset.done $0x0  }
0x55: {  	[sflag:s10] =	ssyncadd.s32 $0xFFFFF800  }
0x56: {  	_ =	sfence.sel $0x180000  }
0x57: {  	[bflag:$0x0] =	sbarrier.arrive $0xFFFF  }
0x58: {  	p0 =	sne.s32 s1, $0x0;
	_ =	strace $0x90000047  }
0x59: {  	s0 =	sadd.s32 @!p0 $0x100000, s0;
	[bflag:$0x2] =	sbarrier.arrive $0xFFFF  }
0x5a: {  	[sflag:s0] =	ssyncadd.tile.s32 @!p0 $0x1;
	_ =	shalt  }
.Lfunc_end2:
_tile_overlayer_lowered:
.L_overlay_start_2:
0x5b: {  	(tag) =	ssettag $0x2  }
0x5c: {  	s0 =	rddreg [dreg:$0x0];
	s2 =	stileid.u32  }
0x5d: {  	s1 =	rddreg [dreg:$0x1];
	p0 =	sne.s32 s2, $0x0  }
0x5e: {  	s3 =	rddreg [dreg:$0x2];
	[bflag:$0x3] =	sbarrier.arrive $0xFFFF;
	s2 =	simm.s32 @!p0 $0x1C02  }
0x5f: {  	[timem:s3], [sflag:s2] =	dma.local @!p0 [hbm:s0], s1  }
0x60: {  	s0 =	simm.s32 @!p0 $0x2  }
0x61: {  	_ =	swait.ge @!p0 [sflag:s0], s1  }
0x62: {  	s1 =	ssub.s32 @!p0 $0x0, s1;
	[sflag:s0] =	ssyncset.done @!p0 $0x0  }
0x63: {  	[sflag:s0] =	ssyncadd.s32 @!p0 s1  }
0x64: {  	[bflag:$0x3] =	sbarrier.arrive $0xFFFF  }
0x65: {  	_ =	shalt  }

</sc_bundles>
